<compile_context>
chip_gen: v7x
topology: tpu7x:2x2x1
jax: 0.10.2.dev20260603
libtpu: 0.0.44.dev20260713+nightly
codegen_flags: <defaults>
</compile_context>

<pallas_src>
import functools

import jax
import jax.numpy as jnp
from jax import lax
from jax.experimental import pallas as pl
from jax.experimental.pallas import tpu as pltpu
from jax.experimental.pallas import tpu_sc as plsc

_N = 50000
_MP = 25000
_K = 16
_C = 128
_L = 16
_NW = 32
_P = 784
_PCUT = 21
_VMAX = _P * _K + _K
_CH = 128
_RING = 4
_RROWS = _RING * _CH
_OB = 8


def _pool_body(inp_hbm, cnt_hbm, idx_hbm, out_hbm,
               idx_vf, cnt_v, cidx, ring, stage, sems_g, sems_o):
    wid = lax.axis_index("s") * 2 + lax.axis_index("c")
    pw = jnp.where(wid < _PCUT, _P, _P - 8)
    out_base = wid * _P - jnp.maximum(wid - _PCUT, 0) * 8
    sbase = jnp.minimum(out_base, _MP - _P)
    loc = out_base - sbase

    pltpu.sync_copy(idx_hbm.at[pl.ds(sbase * _K, _P * _K)],
                    idx_vf.at[pl.ds(0, _P * _K)])
    pltpu.sync_copy(cnt_hbm.at[pl.ds(sbase, _P)], cnt_v.at[pl.ds(0, _P)])

    def compact(p, off):
        row = idx_vf[pl.ds((p + loc) * _K, _K)]
        cidx[pl.ds(off, _K)] = row
        cnt = cnt_v[pl.ds(p + loc, _L)][0]
        cidx[pl.ds(off + cnt, _L)] = jnp.full((_L,), row[0], jnp.int32)
        return off + cnt + (cnt & 1)

    total = lax.fori_loop(0, pw, compact, jnp.int32(0))
    zeros = jnp.zeros((_L,), jnp.int32)
    for t in range(_CH // _L):
        cidx[pl.ds(total + t * _L, _L)] = zeros
    nch = (total + _CH - 1) >> 7

    def gather(chunk):
        slot = chunk & (_RING - 1)
        dst0 = pl.multiple_of(slot * _CH, _CH)
        pltpu.async_copy(
            inp_hbm.at[cidx.at[pl.ds(chunk * _CH, _CH)]],
            ring.at[pl.ds(dst0, _CH)],
            sems_g.at[slot])

    def wait_gather(slot):
        pltpu.make_async_copy(
            inp_hbm.at[pl.ds(0, _CH)], ring.at[pl.ds(0, _CH)],
            sems_g.at[slot]).wait()

    def wait_flush(slot):
        pltpu.make_async_copy(
            stage.at[pl.ds(0, _OB)], out_hbm.at[pl.ds(0, _OB)],
            sems_o.at[slot]).wait()

    for c in range(_RING):
        gather(jnp.int32(c))

    sls = [pl.ds(c * _L, _L) for c in range(_C // _L)]

    def point(p, carry):
        off, gathered, issued, srow = carry
        cnt = cnt_v[pl.ds(p + loc, _L)][0]
        cnt_p = cnt + (cnt & 1)
        last_chunk = (off + cnt_p - 1) >> 7

        @pl.when(last_chunk >= gathered)
        def _():
            wait_gather(gathered & (_RING - 1))

        gathered = jnp.where(last_chunk >= gathered, gathered + 1, gathered)

        can_issue = (issued < nch) & ((issued - _RING) < (off >> 7))

        @pl.when(can_issue)
        def _():
            gather(issued)

        issued = jnp.where(can_issue, issued + 1, issued)

        half = srow >> 3

        @pl.when(((srow == 0) | (srow == _OB)) & (p >= 2 * _OB))
        def _():
            wait_flush(half)

        r0 = off & (_RROWS - 1)
        acc = [ring[r0, sl] for sl in sls]

        def fold(j, acc):
            rr = (off + 2 * j) & (_RROWS - 1)
            return tuple(
                jnp.maximum(jnp.maximum(a, ring[rr, sl]), ring[rr + 1, sl])
                for a, sl in zip(acc, sls))

        acc = tuple(jnp.maximum(a, ring[r0 + 1, sl])
                    for a, sl in zip(acc, sls))
        acc = lax.fori_loop(1, cnt_p >> 1, fold, acc)
        for a, sl in zip(acc, sls):
            stage[srow, sl] = a

        @pl.when((srow == _OB - 1) | (srow == 2 * _OB - 1))
        def _():
            s0 = pl.multiple_of((half << 3), _OB)
            d0 = pl.multiple_of(out_base + p - (_OB - 1), 8)
            pltpu.async_copy(stage.at[pl.ds(s0, _OB)],
                             out_hbm.at[pl.ds(d0, _OB)], sems_o.at[half])

        srow = jnp.where(srow == 2 * _OB - 1, 0, srow + 1)
        return off + cnt_p, gathered, issued, srow

    lax.fori_loop(0, pw, point,
                  (jnp.int32(0), jnp.int32(0), jnp.int32(_RING),
                   jnp.int32(0)))
    wait_flush(jnp.int32(0))
    wait_flush(jnp.int32(1))


_pool_call = functools.partial(
    pl.kernel,
    out_type=jax.ShapeDtypeStruct((_MP, _C), jnp.float32),
    mesh=plsc.VectorSubcoreMesh(core_axis_name="c", subcore_axis_name="s"),
    scratch_types=[
        pltpu.VMEM((_P * _K,), jnp.int32),
        pltpu.VMEM((_P + _L,), jnp.int32),
        pltpu.VMEM((_VMAX + _CH + _L,), jnp.int32),
        pltpu.VMEM((_RROWS, _C), jnp.float32),
        pltpu.VMEM((2 * _OB, _C), jnp.float32),
        pltpu.SemaphoreType.DMA((_RING,)),
        pltpu.SemaphoreType.DMA((2,)),
    ],
)(_pool_body)


def kernel(inputs, nn_count, nn_index):
    idx = nn_index.astype(jnp.int32)
    cnt = nn_count.astype(jnp.int32)
    return _pool_call(inputs, cnt, idx.reshape(-1))

# --- scband reference (transcript-rebuilt; emitter-appended) ---
"""Pipeline reference for scband-pool3d-54640573939791 (READ-ONLY COPY).

The authoritative reference and input builder live on the scoring server;
editing this copy changes nothing except your own understanding.
"""

import jax, jax.numpy as jnp
import numpy as np

N = 50000
Mp = 25000
K = 16
C = 128

def setup_inputs(seed: int = 0) -> dict:
    key = jax.random.key(seed)
    k1, k2, k3 = jax.random.split(key, 3)
    inputs = jax.random.normal(k1, (N, C), dtype=jnp.float32)
    # neighbor counts in [1, K] (at least one valid neighbor per pooled point)
    nn_count = jnp.maximum(jax.random.randint(k2, (Mp,), 0, K, dtype=jnp.int32), 1)
    nn_index = jax.random.randint(k3, (Mp, K), 0, N).astype(jnp.int64)
    return {"inputs": inputs, "nn_count": nn_count, "nn_index": nn_index}

def reference(inputs, nn_count, nn_index):
    # Pool3d with method='max': for each pooled point m, take the max over
    # its first nn_count[m] neighbors listed in nn_index[m, :].
    gathered = jnp.take(inputs, nn_index, axis=0)            # [Mp, K, C]
    mask = jnp.arange(K, dtype=nn_count.dtype)[None, :] < nn_count[:, None]  # [Mp, K]
    masked = jnp.where(mask[:, :, None], gathered, -jnp.inf)  # invalid slots -> -inf
    out = jnp.max(masked, axis=1)                             # [Mp, C]
    out = jnp.where(nn_count[:, None] > 0, out, jnp.zeros_like(out))
    return out

if __name__ == "__main__":
    import jax
    _d = setup_inputs()
    print(jax.jit(kernel)(*tuple(_d.values())))

</pallas_src>

<mosaic_0001>
#map = affine_map<(d0, d1) -> (0, 0)>
#map1 = affine_map<(d0, d1) -> (0)>
module attributes {stable_mosaic.version = 14 : i64} {
  func.func @_pool_body(%arg0: i32, %arg1: i32, %arg2: memref<50000x128xf32, #tpu.memory_space<hbm>>, %arg3: memref<25000xi32, #tpu.memory_space<hbm>>, %arg4: memref<400000xi32, #tpu.memory_space<hbm>>, %arg5: memref<25000x128xf32, #tpu.memory_space<hbm>>, %arg6: memref<12544xi32, #tpu.memory_space<vmem>>, %arg7: memref<800xi32, #tpu.memory_space<vmem>>, %arg8: memref<12704xi32, #tpu.memory_space<vmem>>, %arg9: memref<512x128xf32, #tpu.memory_space<vmem>>, %arg10: memref<16x128xf32, #tpu.memory_space<vmem>>, %arg11: memref<4x!tpu.dma_semaphore, #tpu.memory_space<semaphore_mem>>, %arg12: memref<2x!tpu.dma_semaphore, #tpu.memory_space<semaphore_mem>>) attributes {dimension_semantics = [#tpu.dimension_semantics<core_parallel>, #tpu.dimension_semantics<subcore_parallel>], iteration_bounds = array<i64: 2, 16>, scalar_prefetch = 0 : i64, scratch_operands = 7 : i64, tpu.core_type = #tpu.core_type<sc_vector_subcore>, window_params = [{transform_indices = #map}, {transform_indices = #map1}, {transform_indices = #map1}, {transform_indices = #map}]} {
    %mul3A = arith.constant 2 : i32
    %mul3A_0 = arith.muli %arg1, %mul3A : i32
    %add3A = arith.addi %mul3A_0, %arg0 : i32
    %lt3A = arith.constant 21 : i32
    %lt3A_1 = arith.cmpi slt, %add3A, %lt3A : i32
    %jit3A = arith.constant 784 : i32
    %jit3A_2 = arith.constant 776 : i32
    %select_n3A = arith.select %lt3A_1, %jit3A, %jit3A_2 : i32
    %mul3A_3 = arith.constant 784 : i32
    %mul3A_4 = arith.muli %add3A, %mul3A_3 : i32
    %sub3A = arith.constant 21 : i32
    %sub3A_5 = arith.subi %add3A, %sub3A : i32
    %max3A = arith.constant 0 : i32
    %max3A_6 = arith.maxsi %sub3A_5, %max3A : i32
    %mul3A_7 = arith.constant 8 : i32
    %mul3A_8 = arith.muli %max3A_6, %mul3A_7 : i32
    %sub3A_9 = arith.subi %mul3A_4, %mul3A_8 : i32
    %min3A = arith.constant 24216 : i32
    %min3A_10 = arith.minsi %sub3A_9, %min3A : i32
    %sub3A_11 = arith.subi %sub3A_9, %min3A_10 : i32
    %mul3A_12 = arith.constant 16 : i32
    %mul3A_13 = arith.muli %min3A_10, %mul3A_12 : i32
    "tpu.region"() ({
      %run_scoped3A = tpu.sem_alloc : memref<!tpu.dma_semaphore, #tpu.memory_space<semaphore_mem>>
      %dma_start3A_187 = arith.constant 0 : i32
      %dma_start3A_188 = tpu.memref_slice %arg6[%dma_start3A_187] : memref<12544xi32, #tpu.memory_space<vmem>> -> memref<12544xi32, #tpu.memory_space<vmem>>
      %dma_start3A_189 = tpu.memref_slice %arg4[%mul3A_13] : memref<400000xi32, #tpu.memory_space<hbm>> -> memref<12544xi32, #tpu.memory_space<hbm>>
      %dma_start3A_190 = arith.constant 0 : i32
      %dma_start3A_191 = tpu.memref_slice %arg6[%dma_start3A_190] : memref<12544xi32, #tpu.memory_space<vmem>> -> memref<12544xi32, #tpu.memory_space<vmem>>
      %dma_start3A_192 = tpu.memref_slice %arg4[%mul3A_13] : memref<400000xi32, #tpu.memory_space<hbm>> -> memref<12544xi32, #tpu.memory_space<hbm>>
      tpu.enqueue_dma source(%dma_start3A_192 : memref<12544xi32, #tpu.memory_space<hbm>>) target(%dma_start3A_191 : memref<12544xi32, #tpu.memory_space<vmem>>) target_semaphore(%run_scoped3A : memref<!tpu.dma_semaphore, #tpu.memory_space<semaphore_mem>>)
      %dma_wait3A_193 = arith.constant 0 : i32
      %dma_wait3A_194 = tpu.memref_slice %arg6[%dma_wait3A_193] : memref<12544xi32, #tpu.memory_space<vmem>> -> memref<12544xi32, #tpu.memory_space<vmem>>
      %dma_wait3A_195 = tpu.memref_slice %arg4[%mul3A_13] : memref<400000xi32, #tpu.memory_space<hbm>> -> memref<12544xi32, #tpu.memory_space<hbm>>
      %dma_wait3A_196 = arith.constant 0 : i32
      %dma_wait3A_197 = tpu.memref_slice %arg6[%dma_wait3A_196] : memref<12544xi32, #tpu.memory_space<vmem>> -> memref<12544xi32, #tpu.memory_space<vmem>>
      %dma_wait3A_198 = tpu.memref_slice %arg4[%mul3A_13] : memref<400000xi32, #tpu.memory_space<hbm>> -> memref<12544xi32, #tpu.memory_space<hbm>>
      tpu.wait_dma2 semaphore(%run_scoped3A : memref<!tpu.dma_semaphore, #tpu.memory_space<semaphore_mem>>) src(%dma_wait3A_198 : memref<12544xi32, #tpu.memory_space<hbm>>) dst(%dma_wait3A_197 : memref<12544xi32, #tpu.memory_space<vmem>>)
      tpu.yield
    }) : () -> ()
    "tpu.region"() ({
      %run_scoped3A = tpu.sem_alloc : memref<!tpu.dma_semaphore, #tpu.memory_space<semaphore_mem>>
      %dma_start3A_187 = arith.constant 0 : i32
      %dma_start3A_188 = tpu.memref_slice %arg7[%dma_start3A_187] : memref<800xi32, #tpu.memory_space<vmem>> -> memref<784xi32, #tpu.memory_space<vmem>>
      %dma_start3A_189 = tpu.memref_slice %arg3[%min3A_10] : memref<25000xi32, #tpu.memory_space<hbm>> -> memref<784xi32, #tpu.memory_space<hbm>>
      %dma_start3A_190 = arith.constant 0 : i32
      %dma_start3A_191 = tpu.memref_slice %arg7[%dma_start3A_190] : memref<800xi32, #tpu.memory_space<vmem>> -> memref<784xi32, #tpu.memory_space<vmem>>
      %dma_start3A_192 = tpu.memref_slice %arg3[%min3A_10] : memref<25000xi32, #tpu.memory_space<hbm>> -> memref<784xi32, #tpu.memory_space<hbm>>
      tpu.enqueue_dma source(%dma_start3A_192 : memref<784xi32, #tpu.memory_space<hbm>>) target(%dma_start3A_191 : memref<784xi32, #tpu.memory_space<vmem>>) target_semaphore(%run_scoped3A : memref<!tpu.dma_semaphore, #tpu.memory_space<semaphore_mem>>)
      %dma_wait3A_193 = arith.constant 0 : i32
      %dma_wait3A_194 = tpu.memref_slice %arg7[%dma_wait3A_193] : memref<800xi32, #tpu.memory_space<vmem>> -> memref<784xi32, #tpu.memory_space<vmem>>
      %dma_wait3A_195 = tpu.memref_slice %arg3[%min3A_10] : memref<25000xi32, #tpu.memory_space<hbm>> -> memref<784xi32, #tpu.memory_space<hbm>>
      %dma_wait3A_196 = arith.constant 0 : i32
      %dma_wait3A_197 = tpu.memref_slice %arg7[%dma_wait3A_196] : memref<800xi32, #tpu.memory_space<vmem>> -> memref<784xi32, #tpu.memory_space<vmem>>
      %dma_wait3A_198 = tpu.memref_slice %arg3[%min3A_10] : memref<25000xi32, #tpu.memory_space<hbm>> -> memref<784xi32, #tpu.memory_space<hbm>>
      tpu.wait_dma2 semaphore(%run_scoped3A : memref<!tpu.dma_semaphore, #tpu.memory_space<semaphore_mem>>) src(%dma_wait3A_198 : memref<784xi32, #tpu.memory_space<hbm>>) dst(%dma_wait3A_197 : memref<784xi32, #tpu.memory_space<vmem>>)
      tpu.yield
    }) : () -> ()
    %while3A = arith.constant 0 : i32
    %while3A_14 = arith.constant 0 : i32
    %while3A_15 = arith.subi %select_n3A, %while3A : i32
    %while3A_16 = arith.addi %while3A, %while3A_15 : i32
    %while3A_17 = arith.constant 1 : i32
    %while3A_18 = arith.divsi %while3A_15, %while3A_17 : i32
    %while3A_19 = arith.muli %while3A_18, %while3A_17 : i32
    %while3A_20 = arith.addi %while3A, %while3A_19 : i32
    %while3A_21 = arith.constant 1 : i32
    %while3A_22 = scf.for %while3A_187 = %while3A to %while3A_20 step %while3A_21 iter_args(%while3A_188 = %while3A_14) -> (i32)  : i32 {
      %add3A_189 = arith.addi %while3A_187, %sub3A_11 : i32
      %mul3A_190 = arith.constant 16 : i32
      %mul3A_191 = arith.muli %add3A_189, %mul3A_190 : i32
      %get3A = arith.index_cast %mul3A_191 : i32 to index
      %get3A_192 = tpu.vector_load %arg6[%get3A] {strides = array<i32>} : memref<12544xi32, #tpu.memory_space<vmem>>, vector<16xi32>,
      %get3A_193 = vector.shape_cast %get3A_192 : vector<16xi32> to vector<16xi32>
      %swap3A_194 = arith.index_cast %while3A_188 : i32 to index
      %swap3A_195 = tpu.vector_load %arg8[%swap3A_194] {strides = array<i32>} : memref<12704xi32, #tpu.memory_space<vmem>>, vector<16xi32>,
      %swap3A_196 = vector.shape_cast %swap3A_195 : vector<16xi32> to vector<16xi32>
      %swap3A_197 = vector.shape_cast %get3A_193 : vector<16xi32> to vector<16xi32>
      tpu.vector_store %arg8[%swap3A_194], %swap3A_197 {strides = array<i32>} : memref<12704xi32, #tpu.memory_space<vmem>>, vector<16xi32>,
      %add3A_198 = arith.addi %while3A_187, %sub3A_11 : i32
      %get3A_199 = arith.index_cast %add3A_198 : i32 to index
      %get3A_200 = tpu.vector_load %arg7[%get3A_199] {strides = array<i32>} : memref<800xi32, #tpu.memory_space<vmem>>, vector<16xi32>,
      %get3A_201 = vector.shape_cast %get3A_200 : vector<16xi32> to vector<16xi32>
      %slice3A = vector.extract_strided_slice %get3A_201 {offsets = [0], sizes = [1], strides = [1]} : vector<16xi32> to vector<1xi32>
      %squeeze3A = vector.extract %slice3A[0] : i32 from vector<1xi32>
      %slice3A_202 = vector.extract_strided_slice %get3A_193 {offsets = [0], sizes = [1], strides = [1]} : vector<16xi32> to vector<1xi32>
      %squeeze3A_203 = vector.extract %slice3A_202[0] : i32 from vector<1xi32>
      %broadcast_in_dim3A_204 = vector.broadcast %squeeze3A_203 : i32 to vector<16xi32>
      %add3A_205 = arith.addi %while3A_188, %squeeze3A : i32
      %swap3A_206 = arith.index_cast %add3A_205 : i32 to index
      %swap3A_207 = tpu.vector_load %arg8[%swap3A_206] {strides = array<i32>} : memref<12704xi32, #tpu.memory_space<vmem>>, vector<16xi32>,
      %swap3A_208 = vector.shape_cast %swap3A_207 : vector<16xi32> to vector<16xi32>
      %swap3A_209 = vector.shape_cast %broadcast_in_dim3A_204 : vector<16xi32> to vector<16xi32>
      tpu.vector_store %arg8[%swap3A_206], %swap3A_209 {strides = array<i32>} : memref<12704xi32, #tpu.memory_space<vmem>>, vector<16xi32>,
      %add3A_210 = arith.addi %while3A_188, %squeeze3A : i32
      %and3A_211 = arith.constant 1 : i32
      %and3A_212 = arith.andi %squeeze3A, %and3A_211 : i32
      %add3A_213 = arith.addi %add3A_210, %and3A_212 : i32
      scf.yield %add3A_213 : i32
    }
    %while3A_23 = arith.constant 1 : i32
    %while3A_24 = scf.for %while3A_187 = %while3A_20 to %while3A_16 step %while3A_23 iter_args(%while3A_188 = %while3A_22) -> (i32)  : i32 {
      %add3A_189 = arith.addi %while3A_187, %sub3A_11 : i32
      %mul3A_190 = arith.constant 16 : i32
      %mul3A_191 = arith.muli %add3A_189, %mul3A_190 : i32
      %get3A = arith.index_cast %mul3A_191 : i32 to index
      %get3A_192 = tpu.vector_load %arg6[%get3A] {strides = array<i32>} : memref<12544xi32, #tpu.memory_space<vmem>>, vector<16xi32>,
      %get3A_193 = vector.shape_cast %get3A_192 : vector<16xi32> to vector<16xi32>
      %swap3A_194 = arith.index_cast %while3A_188 : i32 to index
      %swap3A_195 = tpu.vector_load %arg8[%swap3A_194] {strides = array<i32>} : memref<12704xi32, #tpu.memory_space<vmem>>, vector<16xi32>,
      %swap3A_196 = vector.shape_cast %swap3A_195 : vector<16xi32> to vector<16xi32>
      %swap3A_197 = vector.shape_cast %get3A_193 : vector<16xi32> to vector<16xi32>
      tpu.vector_store %arg8[%swap3A_194], %swap3A_197 {strides = array<i32>} : memref<12704xi32, #tpu.memory_space<vmem>>, vector<16xi32>,
      %add3A_198 = arith.addi %while3A_187, %sub3A_11 : i32
      %get3A_199 = arith.index_cast %add3A_198 : i32 to index
      %get3A_200 = tpu.vector_load %arg7[%get3A_199] {strides = array<i32>} : memref<800xi32, #tpu.memory_space<vmem>>, vector<16xi32>,
      %get3A_201 = vector.shape_cast %get3A_200 : vector<16xi32> to vector<16xi32>
      %slice3A = vector.extract_strided_slice %get3A_201 {offsets = [0], sizes = [1], strides = [1]} : vector<16xi32> to vector<1xi32>
      %squeeze3A = vector.extract %slice3A[0] : i32 from vector<1xi32>
      %slice3A_202 = vector.extract_strided_slice %get3A_193 {offsets = [0], sizes = [1], strides = [1]} : vector<16xi32> to vector<1xi32>
      %squeeze3A_203 = vector.extract %slice3A_202[0] : i32 from vector<1xi32>
      %broadcast_in_dim3A_204 = vector.broadcast %squeeze3A_203 : i32 to vector<16xi32>
      %add3A_205 = arith.addi %while3A_188, %squeeze3A : i32
      %swap3A_206 = arith.index_cast %add3A_205 : i32 to index
      %swap3A_207 = tpu.vector_load %arg8[%swap3A_206] {strides = array<i32>} : memref<12704xi32, #tpu.memory_space<vmem>>, vector<16xi32>,
      %swap3A_208 = vector.shape_cast %swap3A_207 : vector<16xi32> to vector<16xi32>
      %swap3A_209 = vector.shape_cast %broadcast_in_dim3A_204 : vector<16xi32> to vector<16xi32>
      tpu.vector_store %arg8[%swap3A_206], %swap3A_209 {strides = array<i32>} : memref<12704xi32, #tpu.memory_space<vmem>>, vector<16xi32>,
      %add3A_210 = arith.addi %while3A_188, %squeeze3A : i32
      %and3A_211 = arith.constant 1 : i32
      %and3A_212 = arith.andi %squeeze3A, %and3A_211 : i32
      %add3A_213 = arith.addi %add3A_210, %and3A_212 : i32
      scf.yield %add3A_213 : i32
    }
    %broadcast_in_dim3A = arith.constant 0 : i32
    %broadcast_in_dim3A_25 = vector.broadcast %broadcast_in_dim3A : i32 to vector<16xi32>
    %add3A_26 = arith.constant 0 : i32
    %add3A_27 = arith.addi %while3A_24, %add3A_26 : i32
    %swap3A = arith.index_cast %add3A_27 : i32 to index
    %swap3A_28 = tpu.vector_load %arg8[%swap3A] {strides = array<i32>} : memref<12704xi32, #tpu.memory_space<vmem>>, vector<16xi32>,
    %swap3A_29 = vector.shape_cast %swap3A_28 : vector<16xi32> to vector<16xi32>
    %swap3A_30 = vector.shape_cast %broadcast_in_dim3A_25 : vector<16xi32> to vector<16xi32>
    tpu.vector_store %arg8[%swap3A], %swap3A_30 {strides = array<i32>} : memref<12704xi32, #tpu.memory_space<vmem>>, vector<16xi32>,
    %add3A_31 = arith.constant 16 : i32
    %add3A_32 = arith.addi %while3A_24, %add3A_31 : i32
    %swap3A_33 = arith.index_cast %add3A_32 : i32 to index
    %swap3A_34 = tpu.vector_load %arg8[%swap3A_33] {strides = array<i32>} : memref<12704xi32, #tpu.memory_space<vmem>>, vector<16xi32>,
    %swap3A_35 = vector.shape_cast %swap3A_34 : vector<16xi32> to vector<16xi32>
    %swap3A_36 = vector.shape_cast %broadcast_in_dim3A_25 : vector<16xi32> to vector<16xi32>
    tpu.vector_store %arg8[%swap3A_33], %swap3A_36 {strides = array<i32>} : memref<12704xi32, #tpu.memory_space<vmem>>, vector<16xi32>,
    %add3A_37 = arith.constant 32 : i32
    %add3A_38 = arith.addi %while3A_24, %add3A_37 : i32
    %swap3A_39 = arith.index_cast %add3A_38 : i32 to index
    %swap3A_40 = tpu.vector_load %arg8[%swap3A_39] {strides = array<i32>} : memref<12704xi32, #tpu.memory_space<vmem>>, vector<16xi32>,
    %swap3A_41 = vector.shape_cast %swap3A_40 : vector<16xi32> to vector<16xi32>
    %swap3A_42 = vector.shape_cast %broadcast_in_dim3A_25 : vector<16xi32> to vector<16xi32>
    tpu.vector_store %arg8[%swap3A_39], %swap3A_42 {strides = array<i32>} : memref<12704xi32, #tpu.memory_space<vmem>>, vector<16xi32>,
    %add3A_43 = arith.constant 48 : i32
    %add3A_44 = arith.addi %while3A_24, %add3A_43 : i32
    %swap3A_45 = arith.index_cast %add3A_44 : i32 to index
    %swap3A_46 = tpu.vector_load %arg8[%swap3A_45] {strides = array<i32>} : memref<12704xi32, #tpu.memory_space<vmem>>, vector<16xi32>,
    %swap3A_47 = vector.shape_cast %swap3A_46 : vector<16xi32> to vector<16xi32>
    %swap3A_48 = vector.shape_cast %broadcast_in_dim3A_25 : vector<16xi32> to vector<16xi32>
    tpu.vector_store %arg8[%swap3A_45], %swap3A_48 {strides = array<i32>} : memref<12704xi32, #tpu.memory_space<vmem>>, vector<16xi32>,
    %add3A_49 = arith.constant 64 : i32
    %add3A_50 = arith.addi %while3A_24, %add3A_49 : i32
    %swap3A_51 = arith.index_cast %add3A_50 : i32 to index
    %swap3A_52 = tpu.vector_load %arg8[%swap3A_51] {strides = array<i32>} : memref<12704xi32, #tpu.memory_space<vmem>>, vector<16xi32>,
    %swap3A_53 = vector.shape_cast %swap3A_52 : vector<16xi32> to vector<16xi32>
    %swap3A_54 = vector.shape_cast %broadcast_in_dim3A_25 : vector<16xi32> to vector<16xi32>
    tpu.vector_store %arg8[%swap3A_51], %swap3A_54 {strides = array<i32>} : memref<12704xi32, #tpu.memory_space<vmem>>, vector<16xi32>,
    %add3A_55 = arith.constant 80 : i32
    %add3A_56 = arith.addi %while3A_24, %add3A_55 : i32
    %swap3A_57 = arith.index_cast %add3A_56 : i32 to index
    %swap3A_58 = tpu.vector_load %arg8[%swap3A_57] {strides = array<i32>} : memref<12704xi32, #tpu.memory_space<vmem>>, vector<16xi32>,
    %swap3A_59 = vector.shape_cast %swap3A_58 : vector<16xi32> to vector<16xi32>
    %swap3A_60 = vector.shape_cast %broadcast_in_dim3A_25 : vector<16xi32> to vector<16xi32>
    tpu.vector_store %arg8[%swap3A_57], %swap3A_60 {strides = array<i32>} : memref<12704xi32, #tpu.memory_space<vmem>>, vector<16xi32>,
    %add3A_61 = arith.constant 96 : i32
    %add3A_62 = arith.addi %while3A_24, %add3A_61 : i32
    %swap3A_63 = arith.index_cast %add3A_62 : i32 to index
    %swap3A_64 = tpu.vector_load %arg8[%swap3A_63] {strides = array<i32>} : memref<12704xi32, #tpu.memory_space<vmem>>, vector<16xi32>,
    %swap3A_65 = vector.shape_cast %swap3A_64 : vector<16xi32> to vector<16xi32>
    %swap3A_66 = vector.shape_cast %broadcast_in_dim3A_25 : vector<16xi32> to vector<16xi32>
    tpu.vector_store %arg8[%swap3A_63], %swap3A_66 {strides = array<i32>} : memref<12704xi32, #tpu.memory_space<vmem>>, vector<16xi32>,
    %add3A_67 = arith.constant 112 : i32
    %add3A_68 = arith.addi %while3A_24, %add3A_67 : i32
    %swap3A_69 = arith.index_cast %add3A_68 : i32 to index
    %swap3A_70 = tpu.vector_load %arg8[%swap3A_69] {strides = array<i32>} : memref<12704xi32, #tpu.memory_space<vmem>>, vector<16xi32>,
    %swap3A_71 = vector.shape_cast %swap3A_70 : vector<16xi32> to vector<16xi32>
    %swap3A_72 = vector.shape_cast %broadcast_in_dim3A_25 : vector<16xi32> to vector<16xi32>
    tpu.vector_store %arg8[%swap3A_69], %swap3A_72 {strides = array<i32>} : memref<12704xi32, #tpu.memory_space<vmem>>, vector<16xi32>,
    %add3A_73 = arith.constant 128 : i32
    %add3A_74 = arith.addi %while3A_24, %add3A_73 : i32
    %sub3A_75 = arith.constant 1 : i32
    %sub3A_76 = arith.subi %add3A_74, %sub3A_75 : i32
    %shift_right_arithmetic3A = arith.constant 7 : i32
    %shift_right_arithmetic3A_77 = arith.shrsi %sub3A_76, %shift_right_arithmetic3A : i32
    %and3A = arith.constant 0 : i32
    %and3A_78 = arith.constant 3 : i32
    %and3A_79 = arith.andi %and3A, %and3A_78 : i32
    %mul3A_80 = arith.constant 128 : i32
    %mul3A_81 = arith.muli %and3A_79, %mul3A_80 : i32
    %multiple_of3A = tpu.assume_multiple %mul3A_81, 128 : i32
    %mul3A_82 = arith.constant 0 : i32
    %mul3A_83 = arith.constant 128 : i32
    %mul3A_84 = arith.muli %mul3A_82, %mul3A_83 : i32
    %dma_start3A = arith.constant 0 : i32
    %dma_start3A_85 = tpu.memref_slice %arg9[%multiple_of3A, %dma_start3A] : memref<512x128xf32, #tpu.memory_space<vmem>> -> memref<128x128xf32, #tpu.memory_space<vmem>>
    %dma_start3A_86 = tpu.memref_slice %arg8[%mul3A_84] : memref<12704xi32, #tpu.memory_space<vmem>> -> memref<128xi32, #tpu.memory_space<vmem>>
    %dma_start3A_87 = arith.constant 0 : i32
    %dma_start3A_88 = arith.constant 0 : i32
    %dma_start3A_89 = tpu.memref_slice %arg2[%dma_start3A_87, %dma_start3A_88] : memref<50000x128xf32, #tpu.memory_space<hbm>> -> memref<50000x128xf32, #tpu.memory_space<hbm>>
    %dma_start3A_90 = tpu.memref_slice %arg11[%and3A_79] : memref<4x!tpu.dma_semaphore, #tpu.memory_space<semaphore_mem>> -> memref<1x!tpu.dma_semaphore, #tpu.memory_space<semaphore_mem>>
    %dma_start3A_91 = tpu.memref_squeeze %dma_start3A_90 : memref<1x!tpu.dma_semaphore, #tpu.memory_space<semaphore_mem>> -> memref<!tpu.dma_semaphore, #tpu.memory_space<semaphore_mem>>
    tpu.enqueue_indirect_dma source(%dma_start3A_89 : memref<50000x128xf32, #tpu.memory_space<hbm>>) target(%dma_start3A_85 : memref<128x128xf32, #tpu.memory_space<vmem>>) offsets(%dma_start3A_86 : memref<128xi32, #tpu.memory_space<vmem>>) semaphore(%dma_start3A_91 : memref<!tpu.dma_semaphore, #tpu.memory_space<semaphore_mem>>)
    %and3A_92 = arith.constant 1 : i32
    %and3A_93 = arith.constant 3 : i32
    %and3A_94 = arith.andi %and3A_92, %and3A_93 : i32
    %mul3A_95 = arith.constant 128 : i32
    %mul3A_96 = arith.muli %and3A_94, %mul3A_95 : i32
    %multiple_of3A_97 = tpu.assume_multiple %mul3A_96, 128 : i32
    %mul3A_98 = arith.constant 1 : i32
    %mul3A_99 = arith.constant 128 : i32
    %mul3A_100 = arith.muli %mul3A_98, %mul3A_99 : i32
    %dma_start3A_101 = arith.constant 0 : i32
    %dma_start3A_102 = tpu.memref_slice %arg9[%multiple_of3A_97, %dma_start3A_101] : memref<512x128xf32, #tpu.memory_space<vmem>> -> memref<128x128xf32, #tpu.memory_space<vmem>>
    %dma_start3A_103 = tpu.memref_slice %arg8[%mul3A_100] : memref<12704xi32, #tpu.memory_space<vmem>> -> memref<128xi32, #tpu.memory_space<vmem>>
    %dma_start3A_104 = arith.constant 0 : i32
    %dma_start3A_105 = arith.constant 0 : i32
    %dma_start3A_106 = tpu.memref_slice %arg2[%dma_start3A_104, %dma_start3A_105] : memref<50000x128xf32, #tpu.memory_space<hbm>> -> memref<50000x128xf32, #tpu.memory_space<hbm>>
    %dma_start3A_107 = tpu.memref_slice %arg11[%and3A_94] : memref<4x!tpu.dma_semaphore, #tpu.memory_space<semaphore_mem>> -> memref<1x!tpu.dma_semaphore, #tpu.memory_space<semaphore_mem>>
    %dma_start3A_108 = tpu.memref_squeeze %dma_start3A_107 : memref<1x!tpu.dma_semaphore, #tpu.memory_space<semaphore_mem>> -> memref<!tpu.dma_semaphore, #tpu.memory_space<semaphore_mem>>
    tpu.enqueue_indirect_dma source(%dma_start3A_106 : memref<50000x128xf32, #tpu.memory_space<hbm>>) target(%dma_start3A_102 : memref<128x128xf32, #tpu.memory_space<vmem>>) offsets(%dma_start3A_103 : memref<128xi32, #tpu.memory_space<vmem>>) semaphore(%dma_start3A_108 : memref<!tpu.dma_semaphore, #tpu.memory_space<semaphore_mem>>)
    %and3A_109 = arith.constant 2 : i32
    %and3A_110 = arith.constant 3 : i32
    %and3A_111 = arith.andi %and3A_109, %and3A_110 : i32
    %mul3A_112 = arith.constant 128 : i32
    %mul3A_113 = arith.muli %and3A_111, %mul3A_112 : i32
    %multiple_of3A_114 = tpu.assume_multiple %mul3A_113, 128 : i32
    %mul3A_115 = arith.constant 2 : i32
    %mul3A_116 = arith.constant 128 : i32
    %mul3A_117 = arith.muli %mul3A_115, %mul3A_116 : i32
    %dma_start3A_118 = arith.constant 0 : i32
    %dma_start3A_119 = tpu.memref_slice %arg9[%multiple_of3A_114, %dma_start3A_118] : memref<512x128xf32, #tpu.memory_space<vmem>> -> memref<128x128xf32, #tpu.memory_space<vmem>>
    %dma_start3A_120 = tpu.memref_slice %arg8[%mul3A_117] : memref<12704xi32, #tpu.memory_space<vmem>> -> memref<128xi32, #tpu.memory_space<vmem>>
    %dma_start3A_121 = arith.constant 0 : i32
    %dma_start3A_122 = arith.constant 0 : i32
    %dma_start3A_123 = tpu.memref_slice %arg2[%dma_start3A_121, %dma_start3A_122] : memref<50000x128xf32, #tpu.memory_space<hbm>> -> memref<50000x128xf32, #tpu.memory_space<hbm>>
    %dma_start3A_124 = tpu.memref_slice %arg11[%and3A_111] : memref<4x!tpu.dma_semaphore, #tpu.memory_space<semaphore_mem>> -> memref<1x!tpu.dma_semaphore, #tpu.memory_space<semaphore_mem>>
    %dma_start3A_125 = tpu.memref_squeeze %dma_start3A_124 : memref<1x!tpu.dma_semaphore, #tpu.memory_space<semaphore_mem>> -> memref<!tpu.dma_semaphore, #tpu.memory_space<semaphore_mem>>
    tpu.enqueue_indirect_dma source(%dma_start3A_123 : memref<50000x128xf32, #tpu.memory_space<hbm>>) target(%dma_start3A_119 : memref<128x128xf32, #tpu.memory_space<vmem>>) offsets(%dma_start3A_120 : memref<128xi32, #tpu.memory_space<vmem>>) semaphore(%dma_start3A_125 : memref<!tpu.dma_semaphore, #tpu.memory_space<semaphore_mem>>)
    %and3A_126 = arith.constant 3 : i32
    %and3A_127 = arith.constant 3 : i32
    %and3A_128 = arith.andi %and3A_126, %and3A_127 : i32
    %mul3A_129 = arith.constant 128 : i32
    %mul3A_130 = arith.muli %and3A_128, %mul3A_129 : i32
    %multiple_of3A_131 = tpu.assume_multiple %mul3A_130, 128 : i32
    %mul3A_132 = arith.constant 3 : i32
    %mul3A_133 = arith.constant 128 : i32
    %mul3A_134 = arith.muli %mul3A_132, %mul3A_133 : i32
    %dma_start3A_135 = arith.constant 0 : i32
    %dma_start3A_136 = tpu.memref_slice %arg9[%multiple_of3A_131, %dma_start3A_135] : memref<512x128xf32, #tpu.memory_space<vmem>> -> memref<128x128xf32, #tpu.memory_space<vmem>>
    %dma_start3A_137 = tpu.memref_slice %arg8[%mul3A_134] : memref<12704xi32, #tpu.memory_space<vmem>> -> memref<128xi32, #tpu.memory_space<vmem>>
    %dma_start3A_138 = arith.constant 0 : i32
    %dma_start3A_139 = arith.constant 0 : i32
    %dma_start3A_140 = tpu.memref_slice %arg2[%dma_start3A_138, %dma_start3A_139] : memref<50000x128xf32, #tpu.memory_space<hbm>> -> memref<50000x128xf32, #tpu.memory_space<hbm>>
    %dma_start3A_141 = tpu.memref_slice %arg11[%and3A_128] : memref<4x!tpu.dma_semaphore, #tpu.memory_space<semaphore_mem>> -> memref<1x!tpu.dma_semaphore, #tpu.memory_space<semaphore_mem>>
    %dma_start3A_142 = tpu.memref_squeeze %dma_start3A_141 : memref<1x!tpu.dma_semaphore, #tpu.memory_space<semaphore_mem>> -> memref<!tpu.dma_semaphore, #tpu.memory_space<semaphore_mem>>
    tpu.enqueue_indirect_dma source(%dma_start3A_140 : memref<50000x128xf32, #tpu.memory_space<hbm>>) target(%dma_start3A_136 : memref<128x128xf32, #tpu.memory_space<vmem>>) offsets(%dma_start3A_137 : memref<128xi32, #tpu.memory_space<vmem>>) semaphore(%dma_start3A_142 : memref<!tpu.dma_semaphore, #tpu.memory_space<semaphore_mem>>)
    %while3A_143 = arith.constant 0 : i32
    %while3A_144 = arith.constant 0 : i32
    %while3A_145 = arith.constant 0 : i32
    %while3A_146 = arith.constant 4 : i32
    %while3A_147 = arith.constant 0 : i32
    %while3A_148 = arith.subi %select_n3A, %while3A_143 : i32
    %while3A_149 = arith.addi %while3A_143, %while3A_148 : i32
    %while3A_150 = arith.constant 1 : i32
    %while3A_151 = arith.divsi %while3A_148, %while3A_150 : i32
    %while3A_152 = arith.muli %while3A_151, %while3A_150 : i32
    %while3A_153 = arith.addi %while3A_143, %while3A_152 : i32
    %while3A_154 = arith.constant 1 : i32
    %while3A_155:4 = scf.for %while3A_187 = %while3A_143 to %while3A_153 step %while3A_154 iter_args(%while3A_188 = %while3A_144, %while3A_189 = %while3A_145, %while3A_190 = %while3A_146, %while3A_191 = %while3A_147) -> (i32, i32, i32, i32)  : i32 {
      %add3A_192 = arith.addi %while3A_187, %sub3A_11 : i32
      %get3A = arith.index_cast %add3A_192 : i32 to index
      %get3A_193 = tpu.vector_load %arg7[%get3A] {strides = array<i32>} : memref<800xi32, #tpu.memory_space<vmem>>, vector<16xi32>,
      %get3A_194 = vector.shape_cast %get3A_193 : vector<16xi32> to vector<16xi32>
      %slice3A = vector.extract_strided_slice %get3A_194 {offsets = [0], sizes = [1], strides = [1]} : vector<16xi32> to vector<1xi32>
      %squeeze3A = vector.extract %slice3A[0] : i32 from vector<1xi32>
      %and3A_195 = arith.constant 1 : i32
      %and3A_196 = arith.andi %squeeze3A, %and3A_195 : i32
      %add3A_197 = arith.addi %squeeze3A, %and3A_196 : i32
      %add3A_198 = arith.addi %while3A_188, %add3A_197 : i32
      %sub3A_199 = arith.constant 1 : i32
      %sub3A_200 = arith.subi %add3A_198, %sub3A_199 : i32
      %shift_right_arithmetic3A_201 = arith.constant 7 : i32
      %shift_right_arithmetic3A_202 = arith.shrsi %sub3A_200, %shift_right_arithmetic3A_201 : i32
      %ge3A = arith.cmpi sge, %shift_right_arithmetic3A_202, %while3A_189 : i32
      %convert_element_type3A = arith.extui %ge3A : i1 to i32
      %cond3A = arith.constant 0 : i32
      %cond3A_203 = arith.cmpi ne, %convert_element_type3A, %cond3A : i32
      scf.if %cond3A_203 {
        %and3A_390 = arith.constant 3 : i32
        %and3A_391 = arith.andi %while3A_189, %and3A_390 : i32
        %dma_wait3A_392 = arith.constant 0 : i32
        %dma_wait3A_393 = arith.constant 0 : i32
        %dma_wait3A_394 = tpu.memref_slice %arg9[%dma_wait3A_392, %dma_wait3A_393] : memref<512x128xf32, #tpu.memory_space<vmem>> -> memref<128x128xf32, #tpu.memory_space<vmem>>
        %dma_wait3A_395 = arith.constant 0 : i32
        %dma_wait3A_396 = arith.constant 0 : i32
        %dma_wait3A_397 = tpu.memref_slice %arg2[%dma_wait3A_395, %dma_wait3A_396] : memref<50000x128xf32, #tpu.memory_space<hbm>> -> memref<128x128xf32, #tpu.memory_space<hbm>>
        %dma_wait3A_398 = tpu.memref_slice %arg11[%and3A_391] : memref<4x!tpu.dma_semaphore, #tpu.memory_space<semaphore_mem>> -> memref<1x!tpu.dma_semaphore, #tpu.memory_space<semaphore_mem>>
        %dma_wait3A_399 = tpu.memref_squeeze %dma_wait3A_398 : memref<1x!tpu.dma_semaphore, #tpu.memory_space<semaphore_mem>> -> memref<!tpu.dma_semaphore, #tpu.memory_space<semaphore_mem>>
        %dma_wait3A_400 = arith.constant 0 : i32
        %dma_wait3A_401 = arith.constant 0 : i32
        %dma_wait3A_402 = tpu.memref_slice %arg9[%dma_wait3A_400, %dma_wait3A_401] : memref<512x128xf32, #tpu.memory_space<vmem>> -> memref<128x128xf32, #tpu.memory_space<vmem>>
        %dma_wait3A_403 = arith.constant 0 : i32
        %dma_wait3A_404 = arith.constant 0 : i32
        %dma_wait3A_405 = tpu.memref_slice %arg2[%dma_wait3A_403, %dma_wait3A_404] : memref<50000x128xf32, #tpu.memory_space<hbm>> -> memref<128x128xf32, #tpu.memory_space<hbm>>
        tpu.wait_dma2 semaphore(%dma_wait3A_399 : memref<!tpu.dma_semaphore, #tpu.memory_space<semaphore_mem>>) src(%dma_wait3A_405 : memref<128x128xf32, #tpu.memory_space<hbm>>) dst(%dma_wait3A_402 : memref<128x128xf32, #tpu.memory_space<vmem>>)
      } else {
      }
      %ge3A_204 = arith.cmpi sge, %shift_right_arithmetic3A_202, %while3A_189 : i32
      %add3A_205 = arith.constant 1 : i32
      %add3A_206 = arith.addi %while3A_189, %add3A_205 : i32
      %select_n3A_207 = arith.select %ge3A_204, %add3A_206, %while3A_189 : i32
      %lt3A_208 = arith.cmpi slt, %while3A_190, %shift_right_arithmetic3A_77 : i32
      %sub3A_209 = arith.constant 4 : i32
      %sub3A_210 = arith.subi %while3A_190, %sub3A_209 : i32
      %shift_right_arithmetic3A_211 = arith.constant 7 : i32
      %shift_right_arithmetic3A_212 = arith.shrsi %while3A_188, %shift_right_arithmetic3A_211 : i32
      %lt3A_213 = arith.cmpi slt, %sub3A_210, %shift_right_arithmetic3A_212 : i32
      %and3A_214 = arith.andi %lt3A_208, %lt3A_213 : i1
      %convert_element_type3A_215 = arith.extui %and3A_214 : i1 to i32
      %cond3A_216 = arith.constant 0 : i32
      %cond3A_217 = arith.cmpi ne, %convert_element_type3A_215, %cond3A_216 : i32
      scf.if %cond3A_217 {
        %and3A_390 = arith.constant 3 : i32
        %and3A_391 = arith.andi %while3A_190, %and3A_390 : i32
        %mul3A_392 = arith.constant 128 : i32
        %mul3A_393 = arith.muli %and3A_391, %mul3A_392 : i32
        %multiple_of3A_394 = tpu.assume_multiple %mul3A_393, 128 : i32
        %mul3A_395 = arith.constant 128 : i32
        %mul3A_396 = arith.muli %while3A_190, %mul3A_395 : i32
        %dma_start3A_397 = arith.constant 0 : i32
        %dma_start3A_398 = tpu.memref_slice %arg9[%multiple_of3A_394, %dma_start3A_397] : memref<512x128xf32, #tpu.memory_space<vmem>> -> memref<128x128xf32, #tpu.memory_space<vmem>>
        %dma_start3A_399 = tpu.memref_slice %arg8[%mul3A_396] : memref<12704xi32, #tpu.memory_space<vmem>> -> memref<128xi32, #tpu.memory_space<vmem>>
        %dma_start3A_400 = arith.constant 0 : i32
        %dma_start3A_401 = arith.constant 0 : i32
        %dma_start3A_402 = tpu.memref_slice %arg2[%dma_start3A_400, %dma_start3A_401] : memref<50000x128xf32, #tpu.memory_space<hbm>> -> memref<50000x128xf32, #tpu.memory_space<hbm>>
        %dma_start3A_403 = tpu.memref_slice %arg11[%and3A_391] : memref<4x!tpu.dma_semaphore, #tpu.memory_space<semaphore_mem>> -> memref<1x!tpu.dma_semaphore, #tpu.memory_space<semaphore_mem>>
        %dma_start3A_404 = tpu.memref_squeeze %dma_start3A_403 : memref<1x!tpu.dma_semaphore, #tpu.memory_space<semaphore_mem>> -> memref<!tpu.dma_semaphore, #tpu.memory_space<semaphore_mem>>
        tpu.enqueue_indirect_dma source(%dma_start3A_402 : memref<50000x128xf32, #tpu.memory_space<hbm>>) target(%dma_start3A_398 : memref<128x128xf32, #tpu.memory_space<vmem>>) offsets(%dma_start3A_399 : memref<128xi32, #tpu.memory_space<vmem>>) semaphore(%dma_start3A_404 : memref<!tpu.dma_semaphore, #tpu.memory_space<semaphore_mem>>)
      } else {
      }
      %add3A_218 = arith.constant 1 : i32
      %add3A_219 = arith.addi %while3A_190, %add3A_218 : i32
      %select_n3A_220 = arith.select %and3A_214, %add3A_219, %while3A_190 : i32
      %shift_right_arithmetic3A_221 = arith.constant 3 : i32
      %shift_right_arithmetic3A_222 = arith.shrsi %while3A_191, %shift_right_arithmetic3A_221 : i32
      %eq3A = arith.constant 0 : i32
      %eq3A_223 = arith.cmpi eq, %while3A_191, %eq3A : i32
      %eq3A_224 = arith.constant 8 : i32
      %eq3A_225 = arith.cmpi eq, %while3A_191, %eq3A_224 : i32
      %or3A = arith.ori %eq3A_223, %eq3A_225 : i1
      %ge3A_226 = arith.constant 16 : i32
      %ge3A_227 = arith.cmpi sge, %while3A_187, %ge3A_226 : i32
      %and3A_228 = arith.andi %or3A, %ge3A_227 : i1
      %convert_element_type3A_229 = arith.extui %and3A_228 : i1 to i32
      %cond3A_230 = arith.constant 0 : i32
      %cond3A_231 = arith.cmpi ne, %convert_element_type3A_229, %cond3A_230 : i32
      scf.if %cond3A_231 {
        %dma_wait3A_390 = arith.constant 0 : i32
        %dma_wait3A_391 = arith.constant 0 : i32
        %dma_wait3A_392 = tpu.memref_slice %arg10[%dma_wait3A_390, %dma_wait3A_391] : memref<16x128xf32, #tpu.memory_space<vmem>> -> memref<8x128xf32, #tpu.memory_space<vmem>>
        %dma_wait3A_393 = arith.constant 0 : i32
        %dma_wait3A_394 = arith.constant 0 : i32
        %dma_wait3A_395 = tpu.memref_slice %arg5[%dma_wait3A_393, %dma_wait3A_394] : memref<25000x128xf32, #tpu.memory_space<hbm>> -> memref<8x128xf32, #tpu.memory_space<hbm>>
        %dma_wait3A_396 = tpu.memref_slice %arg12[%shift_right_arithmetic3A_222] : memref<2x!tpu.dma_semaphore, #tpu.memory_space<semaphore_mem>> -> memref<1x!tpu.dma_semaphore, #tpu.memory_space<semaphore_mem>>
        %dma_wait3A_397 = tpu.memref_squeeze %dma_wait3A_396 : memref<1x!tpu.dma_semaphore, #tpu.memory_space<semaphore_mem>> -> memref<!tpu.dma_semaphore, #tpu.memory_space<semaphore_mem>>
        %dma_wait3A_398 = arith.constant 0 : i32
        %dma_wait3A_399 = arith.constant 0 : i32
        %dma_wait3A_400 = tpu.memref_slice %arg5[%dma_wait3A_398, %dma_wait3A_399] : memref<25000x128xf32, #tpu.memory_space<hbm>> -> memref<8x128xf32, #tpu.memory_space<hbm>>
        %dma_wait3A_401 = arith.constant 0 : i32
        %dma_wait3A_402 = arith.constant 0 : i32
        %dma_wait3A_403 = tpu.memref_slice %arg10[%dma_wait3A_401, %dma_wait3A_402] : memref<16x128xf32, #tpu.memory_space<vmem>> -> memref<8x128xf32, #tpu.memory_space<vmem>>
        tpu.wait_dma2 semaphore(%dma_wait3A_397 : memref<!tpu.dma_semaphore, #tpu.memory_space<semaphore_mem>>) src(%dma_wait3A_403 : memref<8x128xf32, #tpu.memory_space<vmem>>) dst(%dma_wait3A_400 : memref<8x128xf32, #tpu.memory_space<hbm>>)
      } else {
      }
      %and3A_232 = arith.constant 511 : i32
      %and3A_233 = arith.andi %while3A_188, %and3A_232 : i32
      %get3A_234 = arith.index_cast %and3A_233 : i32 to index
      %get3A_235 = arith.constant 0 : index
      %get3A_236 = tpu.vector_load %arg9[%get3A_234, %get3A_235] {strides = array<i32>} : memref<512x128xf32, #tpu.memory_space<vmem>>, vector<1x16xf32>,
      %get3A_237 = vector.shape_cast %get3A_236 : vector<1x16xf32> to vector<16xf32>
      %get3A_238 = arith.index_cast %and3A_233 : i32 to index
      %get3A_239 = arith.constant 16 : index
      %get3A_240 = tpu.vector_load %arg9[%get3A_238, %get3A_239] {strides = array<i32>} : memref<512x128xf32, #tpu.memory_space<vmem>>, vector<1x16xf32>,
      %get3A_241 = vector.shape_cast %get3A_240 : vector<1x16xf32> to vector<16xf32>
      %get3A_242 = arith.index_cast %and3A_233 : i32 to index
      %get3A_243 = arith.constant 32 : index
      %get3A_244 = tpu.vector_load %arg9[%get3A_242, %get3A_243] {strides = array<i32>} : memref<512x128xf32, #tpu.memory_space<vmem>>, vector<1x16xf32>,
      %get3A_245 = vector.shape_cast %get3A_244 : vector<1x16xf32> to vector<16xf32>
      %get3A_246 = arith.index_cast %and3A_233 : i32 to index
      %get3A_247 = arith.constant 48 : index
      %get3A_248 = tpu.vector_load %arg9[%get3A_246, %get3A_247] {strides = array<i32>} : memref<512x128xf32, #tpu.memory_space<vmem>>, vector<1x16xf32>,
      %get3A_249 = vector.shape_cast %get3A_248 : vector<1x16xf32> to vector<16xf32>
      %get3A_250 = arith.index_cast %and3A_233 : i32 to index
      %get3A_251 = arith.constant 64 : index
      %get3A_252 = tpu.vector_load %arg9[%get3A_250, %get3A_251] {strides = array<i32>} : memref<512x128xf32, #tpu.memory_space<vmem>>, vector<1x16xf32>,
      %get3A_253 = vector.shape_cast %get3A_252 : vector<1x16xf32> to vector<16xf32>
      %get3A_254 = arith.index_cast %and3A_233 : i32 to index
      %get3A_255 = arith.constant 80 : index
      %get3A_256 = tpu.vector_load %arg9[%get3A_254, %get3A_255] {strides = array<i32>} : memref<512x128xf32, #tpu.memory_space<vmem>>, vector<1x16xf32>,
      %get3A_257 = vector.shape_cast %get3A_256 : vector<1x16xf32> to vector<16xf32>
      %get3A_258 = arith.index_cast %and3A_233 : i32 to index
      %get3A_259 = arith.constant 96 : index
      %get3A_260 = tpu.vector_load %arg9[%get3A_258, %get3A_259] {strides = array<i32>} : memref<512x128xf32, #tpu.memory_space<vmem>>, vector<1x16xf32>,
      %get3A_261 = vector.shape_cast %get3A_260 : vector<1x16xf32> to vector<16xf32>
      %get3A_262 = arith.index_cast %and3A_233 : i32 to index
      %get3A_263 = arith.constant 112 : index
      %get3A_264 = tpu.vector_load %arg9[%get3A_262, %get3A_263] {strides = array<i32>} : memref<512x128xf32, #tpu.memory_space<vmem>>, vector<1x16xf32>,
      %get3A_265 = vector.shape_cast %get3A_264 : vector<1x16xf32> to vector<16xf32>
      %add3A_266 = arith.constant 1 : i32
      %add3A_267 = arith.addi %and3A_233, %add3A_266 : i32
      %get3A_268 = arith.index_cast %add3A_267 : i32 to index
      %get3A_269 = arith.constant 0 : index
      %get3A_270 = tpu.vector_load %arg9[%get3A_268, %get3A_269] {strides = array<i32>} : memref<512x128xf32, #tpu.memory_space<vmem>>, vector<1x16xf32>,
      %get3A_271 = vector.shape_cast %get3A_270 : vector<1x16xf32> to vector<16xf32>
      %max3A_272 = arith.maximumf %get3A_237, %get3A_271 : vector<16xf32>
      %add3A_273 = arith.constant 1 : i32
      %add3A_274 = arith.addi %and3A_233, %add3A_273 : i32
      %get3A_275 = arith.index_cast %add3A_274 : i32 to index
      %get3A_276 = arith.constant 16 : index
      %get3A_277 = tpu.vector_load %arg9[%get3A_275, %get3A_276] {strides = array<i32>} : memref<512x128xf32, #tpu.memory_space<vmem>>, vector<1x16xf32>,
      %get3A_278 = vector.shape_cast %get3A_277 : vector<1x16xf32> to vector<16xf32>
      %max3A_279 = arith.maximumf %get3A_241, %get3A_278 : vector<16xf32>
      %add3A_280 = arith.constant 1 : i32
      %add3A_281 = arith.addi %and3A_233, %add3A_280 : i32
      %get3A_282 = arith.index_cast %add3A_281 : i32 to index
      %get3A_283 = arith.constant 32 : index
      %get3A_284 = tpu.vector_load %arg9[%get3A_282, %get3A_283] {strides = array<i32>} : memref<512x128xf32, #tpu.memory_space<vmem>>, vector<1x16xf32>,
      %get3A_285 = vector.shape_cast %get3A_284 : vector<1x16xf32> to vector<16xf32>
      %max3A_286 = arith.maximumf %get3A_245, %get3A_285 : vector<16xf32>
      %add3A_287 = arith.constant 1 : i32
      %add3A_288 = arith.addi %and3A_233, %add3A_287 : i32
      %get3A_289 = arith.index_cast %add3A_288 : i32 to index
      %get3A_290 = arith.constant 48 : index
      %get3A_291 = tpu.vector_load %arg9[%get3A_289, %get3A_290] {strides = array<i32>} : memref<512x128xf32, #tpu.memory_space<vmem>>, vector<1x16xf32>,
      %get3A_292 = vector.shape_cast %get3A_291 : vector<1x16xf32> to vector<16xf32>
      %max3A_293 = arith.maximumf %get3A_249, %get3A_292 : vector<16xf32>
      %add3A_294 = arith.constant 1 : i32
      %add3A_295 = arith.addi %and3A_233, %add3A_294 : i32
      %get3A_296 = arith.index_cast %add3A_295 : i32 to index
      %get3A_297 = arith.constant 64 : index
      %get3A_298 = tpu.vector_load %arg9[%get3A_296, %get3A_297] {strides = array<i32>} : memref<512x128xf32, #tpu.memory_space<vmem>>, vector<1x16xf32>,
      %get3A_299 = vector.shape_cast %get3A_298 : vector<1x16xf32> to vector<16xf32>
      %max3A_300 = arith.maximumf %get3A_253, %get3A_299 : vector<16xf32>
      %add3A_301 = arith.constant 1 : i32
      %add3A_302 = arith.addi %and3A_233, %add3A_301 : i32
      %get3A_303 = arith.index_cast %add3A_302 : i32 to index
      %get3A_304 = arith.constant 80 : index
      %get3A_305 = tpu.vector_load %arg9[%get3A_303, %get3A_304] {strides = array<i32>} : memref<512x128xf32, #tpu.memory_space<vmem>>, vector<1x16xf32>,
      %get3A_306 = vector.shape_cast %get3A_305 : vector<1x16xf32> to vector<16xf32>
      %max3A_307 = arith.maximumf %get3A_257, %get3A_306 : vector<16xf32>
      %add3A_308 = arith.constant 1 : i32
      %add3A_309 = arith.addi %and3A_233, %add3A_308 : i32
      %get3A_310 = arith.index_cast %add3A_309 : i32 to index
      %get3A_311 = arith.constant 96 : index
      %get3A_312 = tpu.vector_load %arg9[%get3A_310, %get3A_311] {strides = array<i32>} : memref<512x128xf32, #tpu.memory_space<vmem>>, vector<1x16xf32>,
      %get3A_313 = vector.shape_cast %get3A_312 : vector<1x16xf32> to vector<16xf32>
      %max3A_314 = arith.maximumf %get3A_261, %get3A_313 : vector<16xf32>
      %add3A_315 = arith.constant 1 : i32
      %add3A_316 = arith.addi %and3A_233, %add3A_315 : i32
      %get3A_317 = arith.index_cast %add3A_316 : i32 to index
      %get3A_318 = arith.constant 112 : index
      %get3A_319 = tpu.vector_load %arg9[%get3A_317, %get3A_318] {strides = array<i32>} : memref<512x128xf32, #tpu.memory_space<vmem>>, vector<1x16xf32>,
      %get3A_320 = vector.shape_cast %get3A_319 : vector<1x16xf32> to vector<16xf32>
      %max3A_321 = arith.maximumf %get3A_265, %get3A_320 : vector<16xf32>
      %shift_right_arithmetic3A_322 = arith.constant 1 : i32
      %shift_right_arithmetic3A_323 = arith.shrsi %add3A_197, %shift_right_arithmetic3A_322 : i32
      %while3A_324 = arith.constant 1 : i32
      %while3A_325 = arith.subi %shift_right_arithmetic3A_323, %while3A_324 : i32
      %while3A_326 = arith.addi %while3A_324, %while3A_325 : i32
      %while3A_327 = arith.constant 1 : i32
      %while3A_328 = arith.divsi %while3A_325, %while3A_327 : i32
      %while3A_329 = arith.muli %while3A_328, %while3A_327 : i32
      %while3A_330 = arith.addi %while3A_324, %while3A_329 : i32
      %while3A_331 = arith.constant 1 : i32
      %while3A_332:8 = scf.for %while3A_390 = %while3A_324 to %while3A_330 step %while3A_331 iter_args(%while3A_391 = %max3A_272, %while3A_392 = %max3A_279, %while3A_393 = %max3A_286, %while3A_394 = %max3A_293, %while3A_395 = %max3A_300, %while3A_396 = %max3A_307, %while3A_397 = %max3A_314, %while3A_398 = %max3A_321) -> (vector<16xf32>, vector<16xf32>, vector<16xf32>, vector<16xf32>, vector<16xf32>, vector<16xf32>, vector<16xf32>, vector<16xf32>)  : i32 {
        %mul3A_399 = arith.constant 2 : i32
        %mul3A_400 = arith.muli %mul3A_399, %while3A_390 : i32
        %add3A_401 = arith.addi %while3A_188, %mul3A_400 : i32
        %and3A_402 = arith.constant 511 : i32
        %and3A_403 = arith.andi %add3A_401, %and3A_402 : i32
        %get3A_404 = arith.index_cast %and3A_403 : i32 to index
        %get3A_405 = arith.constant 0 : index
        %get3A_406 = tpu.vector_load %arg9[%get3A_404, %get3A_405] {strides = array<i32>} : memref<512x128xf32, #tpu.memory_space<vmem>>, vector<1x16xf32>,
        %get3A_407 = vector.shape_cast %get3A_406 : vector<1x16xf32> to vector<16xf32>
        %max3A_408 = arith.maximumf %while3A_391, %get3A_407 : vector<16xf32>
        %add3A_409 = arith.constant 1 : i32
        %add3A_410 = arith.addi %and3A_403, %add3A_409 : i32
        %get3A_411 = arith.index_cast %add3A_410 : i32 to index
        %get3A_412 = arith.constant 0 : index
        %get3A_413 = tpu.vector_load %arg9[%get3A_411, %get3A_412] {strides = array<i32>} : memref<512x128xf32, #tpu.memory_space<vmem>>, vector<1x16xf32>,
        %get3A_414 = vector.shape_cast %get3A_413 : vector<1x16xf32> to vector<16xf32>
        %max3A_415 = arith.maximumf %max3A_408, %get3A_414 : vector<16xf32>
        %get3A_416 = arith.index_cast %and3A_403 : i32 to index
        %get3A_417 = arith.constant 16 : index
        %get3A_418 = tpu.vector_load %arg9[%get3A_416, %get3A_417] {strides = array<i32>} : memref<512x128xf32, #tpu.memory_space<vmem>>, vector<1x16xf32>,
        %get3A_419 = vector.shape_cast %get3A_418 : vector<1x16xf32> to vector<16xf32>
        %max3A_420 = arith.maximumf %while3A_392, %get3A_419 : vector<16xf32>
        %add3A_421 = arith.constant 1 : i32
        %add3A_422 = arith.addi %and3A_403, %add3A_421 : i32
        %get3A_423 = arith.index_cast %add3A_422 : i32 to index
        %get3A_424 = arith.constant 16 : index
        %get3A_425 = tpu.vector_load %arg9[%get3A_423, %get3A_424] {strides = array<i32>} : memref<512x128xf32, #tpu.memory_space<vmem>>, vector<1x16xf32>,
        %get3A_426 = vector.shape_cast %get3A_425 : vector<1x16xf32> to vector<16xf32>
        %max3A_427 = arith.maximumf %max3A_420, %get3A_426 : vector<16xf32>
        %get3A_428 = arith.index_cast %and3A_403 : i32 to index
        %get3A_429 = arith.constant 32 : index
        %get3A_430 = tpu.vector_load %arg9[%get3A_428, %get3A_429] {strides = array<i32>} : memref<512x128xf32, #tpu.memory_space<vmem>>, vector<1x16xf32>,
        %get3A_431 = vector.shape_cast %get3A_430 : vector<1x16xf32> to vector<16xf32>
        %max3A_432 = arith.maximumf %while3A_393, %get3A_431 : vector<16xf32>
        %add3A_433 = arith.constant 1 : i32
        %add3A_434 = arith.addi %and3A_403, %add3A_433 : i32
        %get3A_435 = arith.index_cast %add3A_434 : i32 to index
        %get3A_436 = arith.constant 32 : index
        %get3A_437 = tpu.vector_load %arg9[%get3A_435, %get3A_436] {strides = array<i32>} : memref<512x128xf32, #tpu.memory_space<vmem>>, vector<1x16xf32>,
        %get3A_438 = vector.shape_cast %get3A_437 : vector<1x16xf32> to vector<16xf32>
        %max3A_439 = arith.maximumf %max3A_432, %get3A_438 : vector<16xf32>
        %get3A_440 = arith.index_cast %and3A_403 : i32 to index
        %get3A_441 = arith.constant 48 : index
        %get3A_442 = tpu.vector_load %arg9[%get3A_440, %get3A_441] {strides = array<i32>} : memref<512x128xf32, #tpu.memory_space<vmem>>, vector<1x16xf32>,
        %get3A_443 = vector.shape_cast %get3A_442 : vector<1x16xf32> to vector<16xf32>
        %max3A_444 = arith.maximumf %while3A_394, %get3A_443 : vector<16xf32>
        %add3A_445 = arith.constant 1 : i32
        %add3A_446 = arith.addi %and3A_403, %add3A_445 : i32
        %get3A_447 = arith.index_cast %add3A_446 : i32 to index
        %get3A_448 = arith.constant 48 : index
        %get3A_449 = tpu.vector_load %arg9[%get3A_447, %get3A_448] {strides = array<i32>} : memref<512x128xf32, #tpu.memory_space<vmem>>, vector<1x16xf32>,
        %get3A_450 = vector.shape_cast %get3A_449 : vector<1x16xf32> to vector<16xf32>
        %max3A_451 = arith.maximumf %max3A_444, %get3A_450 : vector<16xf32>
        %get3A_452 = arith.index_cast %and3A_403 : i32 to index
        %get3A_453 = arith.constant 64 : index
        %get3A_454 = tpu.vector_load %arg9[%get3A_452, %get3A_453] {strides = array<i32>} : memref<512x128xf32, #tpu.memory_space<vmem>>, vector<1x16xf32>,
        %get3A_455 = vector.shape_cast %get3A_454 : vector<1x16xf32> to vector<16xf32>
        %max3A_456 = arith.maximumf %while3A_395, %get3A_455 : vector<16xf32>
        %add3A_457 = arith.constant 1 : i32
        %add3A_458 = arith.addi %and3A_403, %add3A_457 : i32
        %get3A_459 = arith.index_cast %add3A_458 : i32 to index
        %get3A_460 = arith.constant 64 : index
        %get3A_461 = tpu.vector_load %arg9[%get3A_459, %get3A_460] {strides = array<i32>} : memref<512x128xf32, #tpu.memory_space<vmem>>, vector<1x16xf32>,
        %get3A_462 = vector.shape_cast %get3A_461 : vector<1x16xf32> to vector<16xf32>
        %max3A_463 = arith.maximumf %max3A_456, %get3A_462 : vector<16xf32>
        %get3A_464 = arith.index_cast %and3A_403 : i32 to index
        %get3A_465 = arith.constant 80 : index
        %get3A_466 = tpu.vector_load %arg9[%get3A_464, %get3A_465] {strides = array<i32>} : memref<512x128xf32, #tpu.memory_space<vmem>>, vector<1x16xf32>,
        %get3A_467 = vector.shape_cast %get3A_466 : vector<1x16xf32> to vector<16xf32>
        %max3A_468 = arith.maximumf %while3A_396, %get3A_467 : vector<16xf32>
        %add3A_469 = arith.constant 1 : i32
        %add3A_470 = arith.addi %and3A_403, %add3A_469 : i32
        %get3A_471 = arith.index_cast %add3A_470 : i32 to index
        %get3A_472 = arith.constant 80 : index
        %get3A_473 = tpu.vector_load %arg9[%get3A_471, %get3A_472] {strides = array<i32>} : memref<512x128xf32, #tpu.memory_space<vmem>>, vector<1x16xf32>,
        %get3A_474 = vector.shape_cast %get3A_473 : vector<1x16xf32> to vector<16xf32>
        %max3A_475 = arith.maximumf %max3A_468, %get3A_474 : vector<16xf32>
        %get3A_476 = arith.index_cast %and3A_403 : i32 to index
        %get3A_477 = arith.constant 96 : index
        %get3A_478 = tpu.vector_load %arg9[%get3A_476, %get3A_477] {strides = array<i32>} : memref<512x128xf32, #tpu.memory_space<vmem>>, vector<1x16xf32>,
        %get3A_479 = vector.shape_cast %get3A_478 : vector<1x16xf32> to vector<16xf32>
        %max3A_480 = arith.maximumf %while3A_397, %get3A_479 : vector<16xf32>
        %add3A_481 = arith.constant 1 : i32
        %add3A_482 = arith.addi %and3A_403, %add3A_481 : i32
        %get3A_483 = arith.index_cast %add3A_482 : i32 to index
        %get3A_484 = arith.constant 96 : index
        %get3A_485 = tpu.vector_load %arg9[%get3A_483, %get3A_484] {strides = array<i32>} : memref<512x128xf32, #tpu.memory_space<vmem>>, vector<1x16xf32>,
        %get3A_486 = vector.shape_cast %get3A_485 : vector<1x16xf32> to vector<16xf32>
        %max3A_487 = arith.maximumf %max3A_480, %get3A_486 : vector<16xf32>
        %get3A_488 = arith.index_cast %and3A_403 : i32 to index
        %get3A_489 = arith.constant 112 : index
        %get3A_490 = tpu.vector_load %arg9[%get3A_488, %get3A_489] {strides = array<i32>} : memref<512x128xf32, #tpu.memory_space<vmem>>, vector<1x16xf32>,
        %get3A_491 = vector.shape_cast %get3A_490 : vector<1x16xf32> to vector<16xf32>
        %max3A_492 = arith.maximumf %while3A_398, %get3A_491 : vector<16xf32>
        %add3A_493 = arith.constant 1 : i32
        %add3A_494 = arith.addi %and3A_403, %add3A_493 : i32
        %get3A_495 = arith.index_cast %add3A_494 : i32 to index
        %get3A_496 = arith.constant 112 : index
        %get3A_497 = tpu.vector_load %arg9[%get3A_495, %get3A_496] {strides = array<i32>} : memref<512x128xf32, #tpu.memory_space<vmem>>, vector<1x16xf32>,
        %get3A_498 = vector.shape_cast %get3A_497 : vector<1x16xf32> to vector<16xf32>
        %max3A_499 = arith.maximumf %max3A_492, %get3A_498 : vector<16xf32>
        scf.yield %max3A_415, %max3A_427, %max3A_439, %max3A_451, %max3A_463, %max3A_475, %max3A_487, %max3A_499 : vector<16xf32>, vector<16xf32>, vector<16xf32>, vector<16xf32>, vector<16xf32>, vector<16xf32>, vector<16xf32>, vector<16xf32>
      }
      %while3A_333 = arith.constant 1 : i32
      %while3A_334:8 = scf.for %while3A_390 = %while3A_330 to %while3A_326 step %while3A_333 iter_args(%while3A_391 = %while3A_332#0, %while3A_392 = %while3A_332#1, %while3A_393 = %while3A_332#2, %while3A_394 = %while3A_332#3, %while3A_395 = %while3A_332#4, %while3A_396 = %while3A_332#5, %while3A_397 = %while3A_332#6, %while3A_398 = %while3A_332#7) -> (vector<16xf32>, vector<16xf32>, vector<16xf32>, vector<16xf32>, vector<16xf32>, vector<16xf32>, vector<16xf32>, vector<16xf32>)  : i32 {
        %mul3A_399 = arith.constant 2 : i32
        %mul3A_400 = arith.muli %mul3A_399, %while3A_390 : i32
        %add3A_401 = arith.addi %while3A_188, %mul3A_400 : i32
        %and3A_402 = arith.constant 511 : i32
        %and3A_403 = arith.andi %add3A_401, %and3A_402 : i32
        %get3A_404 = arith.index_cast %and3A_403 : i32 to index
        %get3A_405 = arith.constant 0 : index
        %get3A_406 = tpu.vector_load %arg9[%get3A_404, %get3A_405] {strides = array<i32>} : memref<512x128xf32, #tpu.memory_space<vmem>>, vector<1x16xf32>,
        %get3A_407 = vector.shape_cast %get3A_406 : vector<1x16xf32> to vector<16xf32>
        %max3A_408 = arith.maximumf %while3A_391, %get3A_407 : vector<16xf32>
        %add3A_409 = arith.constant 1 : i32
        %add3A_410 = arith.addi %and3A_403, %add3A_409 : i32
        %get3A_411 = arith.index_cast %add3A_410 : i32 to index
        %get3A_412 = arith.constant 0 : index
        %get3A_413 = tpu.vector_load %arg9[%get3A_411, %get3A_412] {strides = array<i32>} : memref<512x128xf32, #tpu.memory_space<vmem>>, vector<1x16xf32>,
        %get3A_414 = vector.shape_cast %get3A_413 : vector<1x16xf32> to vector<16xf32>
        %max3A_415 = arith.maximumf %max3A_408, %get3A_414 : vector<16xf32>
        %get3A_416 = arith.index_cast %and3A_403 : i32 to index
        %get3A_417 = arith.constant 16 : index
        %get3A_418 = tpu.vector_load %arg9[%get3A_416, %get3A_417] {strides = array<i32>} : memref<512x128xf32, #tpu.memory_space<vmem>>, vector<1x16xf32>,
        %get3A_419 = vector.shape_cast %get3A_418 : vector<1x16xf32> to vector<16xf32>
        %max3A_420 = arith.maximumf %while3A_392, %get3A_419 : vector<16xf32>
        %add3A_421 = arith.constant 1 : i32
        %add3A_422 = arith.addi %and3A_403, %add3A_421 : i32
        %get3A_423 = arith.index_cast %add3A_422 : i32 to index
        %get3A_424 = arith.constant 16 : index
        %get3A_425 = tpu.vector_load %arg9[%get3A_423, %get3A_424] {strides = array<i32>} : memref<512x128xf32, #tpu.memory_space<vmem>>, vector<1x16xf32>,
        %get3A_426 = vector.shape_cast %get3A_425 : vector<1x16xf32> to vector<16xf32>
        %max3A_427 = arith.maximumf %max3A_420, %get3A_426 : vector<16xf32>
        %get3A_428 = arith.index_cast %and3A_403 : i32 to index
        %get3A_429 = arith.constant 32 : index
        %get3A_430 = tpu.vector_load %arg9[%get3A_428, %get3A_429] {strides = array<i32>} : memref<512x128xf32, #tpu.memory_space<vmem>>, vector<1x16xf32>,
        %get3A_431 = vector.shape_cast %get3A_430 : vector<1x16xf32> to vector<16xf32>
        %max3A_432 = arith.maximumf %while3A_393, %get3A_431 : vector<16xf32>
        %add3A_433 = arith.constant 1 : i32
        %add3A_434 = arith.addi %and3A_403, %add3A_433 : i32
        %get3A_435 = arith.index_cast %add3A_434 : i32 to index
        %get3A_436 = arith.constant 32 : index
        %get3A_437 = tpu.vector_load %arg9[%get3A_435, %get3A_436] {strides = array<i32>} : memref<512x128xf32, #tpu.memory_space<vmem>>, vector<1x16xf32>,
        %get3A_438 = vector.shape_cast %get3A_437 : vector<1x16xf32> to vector<16xf32>
        %max3A_439 = arith.maximumf %max3A_432, %get3A_438 : vector<16xf32>
        %get3A_440 = arith.index_cast %and3A_403 : i32 to index
        %get3A_441 = arith.constant 48 : index
        %get3A_442 = tpu.vector_load %arg9[%get3A_440, %get3A_441] {strides = array<i32>} : memref<512x128xf32, #tpu.memory_space<vmem>>, vector<1x16xf32>,
        %get3A_443 = vector.shape_cast %get3A_442 : vector<1x16xf32> to vector<16xf32>
        %max3A_444 = arith.maximumf %while3A_394, %get3A_443 : vector<16xf32>
        %add3A_445 = arith.constant 1 : i32
        %add3A_446 = arith.addi %and3A_403, %add3A_445 : i32
        %get3A_447 = arith.index_cast %add3A_446 : i32 to index
        %get3A_448 = arith.constant 48 : index
        %get3A_449 = tpu.vector_load %arg9[%get3A_447, %get3A_448] {strides = array<i32>} : memref<512x128xf32, #tpu.memory_space<vmem>>, vector<1x16xf32>,
        %get3A_450 = vector.shape_cast %get3A_449 : vector<1x16xf32> to vector<16xf32>
        %max3A_451 = arith.maximumf %max3A_444, %get3A_450 : vector<16xf32>
        %get3A_452 = arith.index_cast %and3A_403 : i32 to index
        %get3A_453 = arith.constant 64 : index
        %get3A_454 = tpu.vector_load %arg9[%get3A_452, %get3A_453] {strides = array<i32>} : memref<512x128xf32, #tpu.memory_space<vmem>>, vector<1x16xf32>,
        %get3A_455 = vector.shape_cast %get3A_454 : vector<1x16xf32> to vector<16xf32>
        %max3A_456 = arith.maximumf %while3A_395, %get3A_455 : vector<16xf32>
        %add3A_457 = arith.constant 1 : i32
        %add3A_458 = arith.addi %and3A_403, %add3A_457 : i32
        %get3A_459 = arith.index_cast %add3A_458 : i32 to index
        %get3A_460 = arith.constant 64 : index
        %get3A_461 = tpu.vector_load %arg9[%get3A_459, %get3A_460] {strides = array<i32>} : memref<512x128xf32, #tpu.memory_space<vmem>>, vector<1x16xf32>,
        %get3A_462 = vector.shape_cast %get3A_461 : vector<1x16xf32> to vector<16xf32>
        %max3A_463 = arith.maximumf %max3A_456, %get3A_462 : vector<16xf32>
        %get3A_464 = arith.index_cast %and3A_403 : i32 to index
        %get3A_465 = arith.constant 80 : index
        %get3A_466 = tpu.vector_load %arg9[%get3A_464, %get3A_465] {strides = array<i32>} : memref<512x128xf32, #tpu.memory_space<vmem>>, vector<1x16xf32>,
        %get3A_467 = vector.shape_cast %get3A_466 : vector<1x16xf32> to vector<16xf32>
        %max3A_468 = arith.maximumf %while3A_396, %get3A_467 : vector<16xf32>
        %add3A_469 = arith.constant 1 : i32
        %add3A_470 = arith.addi %and3A_403, %add3A_469 : i32
        %get3A_471 = arith.index_cast %add3A_470 : i32 to index
        %get3A_472 = arith.constant 80 : index
        %get3A_473 = tpu.vector_load %arg9[%get3A_471, %get3A_472] {strides = array<i32>} : memref<512x128xf32, #tpu.memory_space<vmem>>, vector<1x16xf32>,
        %get3A_474 = vector.shape_cast %get3A_473 : vector<1x16xf32> to vector<16xf32>
        %max3A_475 = arith.maximumf %max3A_468, %get3A_474 : vector<16xf32>
        %get3A_476 = arith.index_cast %and3A_403 : i32 to index
        %get3A_477 = arith.constant 96 : index
        %get3A_478 = tpu.vector_load %arg9[%get3A_476, %get3A_477] {strides = array<i32>} : memref<512x128xf32, #tpu.memory_space<vmem>>, vector<1x16xf32>,
        %get3A_479 = vector.shape_cast %get3A_478 : vector<1x16xf32> to vector<16xf32>
        %max3A_480 = arith.maximumf %while3A_397, %get3A_479 : vector<16xf32>
        %add3A_481 = arith.constant 1 : i32
        %add3A_482 = arith.addi %and3A_403, %add3A_481 : i32
        %get3A_483 = arith.index_cast %add3A_482 : i32 to index
        %get3A_484 = arith.constant 96 : index
        %get3A_485 = tpu.vector_load %arg9[%get3A_483, %get3A_484] {strides = array<i32>} : memref<512x128xf32, #tpu.memory_space<vmem>>, vector<1x16xf32>,
        %get3A_486 = vector.shape_cast %get3A_485 : vector<1x16xf32> to vector<16xf32>
        %max3A_487 = arith.maximumf %max3A_480, %get3A_486 : vector<16xf32>
        %get3A_488 = arith.index_cast %and3A_403 : i32 to index
        %get3A_489 = arith.constant 112 : index
        %get3A_490 = tpu.vector_load %arg9[%get3A_488, %get3A_489] {strides = array<i32>} : memref<512x128xf32, #tpu.memory_space<vmem>>, vector<1x16xf32>,
        %get3A_491 = vector.shape_cast %get3A_490 : vector<1x16xf32> to vector<16xf32>
        %max3A_492 = arith.maximumf %while3A_398, %get3A_491 : vector<16xf32>
        %add3A_493 = arith.constant 1 : i32
        %add3A_494 = arith.addi %and3A_403, %add3A_493 : i32
        %get3A_495 = arith.index_cast %add3A_494 : i32 to index
        %get3A_496 = arith.constant 112 : index
        %get3A_497 = tpu.vector_load %arg9[%get3A_495, %get3A_496] {strides = array<i32>} : memref<512x128xf32, #tpu.memory_space<vmem>>, vector<1x16xf32>,
        %get3A_498 = vector.shape_cast %get3A_497 : vector<1x16xf32> to vector<16xf32>
        %max3A_499 = arith.maximumf %max3A_492, %get3A_498 : vector<16xf32>
        scf.yield %max3A_415, %max3A_427, %max3A_439, %max3A_451, %max3A_463, %max3A_475, %max3A_487, %max3A_499 : vector<16xf32>, vector<16xf32>, vector<16xf32>, vector<16xf32>, vector<16xf32>, vector<16xf32>, vector<16xf32>, vector<16xf32>
      }
      %swap3A_335 = arith.index_cast %while3A_191 : i32 to index
      %swap3A_336 = arith.constant 0 : index
      %swap3A_337 = tpu.vector_load %arg10[%swap3A_335, %swap3A_336] {strides = array<i32>} : memref<16x128xf32, #tpu.memory_space<vmem>>, vector<1x16xf32>,
      %swap3A_338 = vector.shape_cast %swap3A_337 : vector<1x16xf32> to vector<16xf32>
      %swap3A_339 = vector.shape_cast %while3A_334#0 : vector<16xf32> to vector<1x16xf32>
      tpu.vector_store %arg10[%swap3A_335, %swap3A_336], %swap3A_339 {strides = array<i32>} : memref<16x128xf32, #tpu.memory_space<vmem>>, vector<1x16xf32>,
      %swap3A_340 = arith.index_cast %while3A_191 : i32 to index
      %swap3A_341 = arith.constant 16 : index
      %swap3A_342 = tpu.vector_load %arg10[%swap3A_340, %swap3A_341] {strides = array<i32>} : memref<16x128xf32, #tpu.memory_space<vmem>>, vector<1x16xf32>,
      %swap3A_343 = vector.shape_cast %swap3A_342 : vector<1x16xf32> to vector<16xf32>
      %swap3A_344 = vector.shape_cast %while3A_334#1 : vector<16xf32> to vector<1x16xf32>
      tpu.vector_store %arg10[%swap3A_340, %swap3A_341], %swap3A_344 {strides = array<i32>} : memref<16x128xf32, #tpu.memory_space<vmem>>, vector<1x16xf32>,
      %swap3A_345 = arith.index_cast %while3A_191 : i32 to index
      %swap3A_346 = arith.constant 32 : index
      %swap3A_347 = tpu.vector_load %arg10[%swap3A_345, %swap3A_346] {strides = array<i32>} : memref<16x128xf32, #tpu.memory_space<vmem>>, vector<1x16xf32>,
      %swap3A_348 = vector.shape_cast %swap3A_347 : vector<1x16xf32> to vector<16xf32>
      %swap3A_349 = vector.shape_cast %while3A_334#2 : vector<16xf32> to vector<1x16xf32>
      tpu.vector_store %arg10[%swap3A_345, %swap3A_346], %swap3A_349 {strides = array<i32>} : memref<16x128xf32, #tpu.memory_space<vmem>>, vector<1x16xf32>,
      %swap3A_350 = arith.index_cast %while3A_191 : i32 to index
      %swap3A_351 = arith.constant 48 : index
      %swap3A_352 = tpu.vector_load %arg10[%swap3A_350, %swap3A_351] {strides = array<i32>} : memref<16x128xf32, #tpu.memory_space<vmem>>, vector<1x16xf32>,
      %swap3A_353 = vector.shape_cast %swap3A_352 : vector<1x16xf32> to vector<16xf32>
      %swap3A_354 = vector.shape_cast %while3A_334#3 : vector<16xf32> to vector<1x16xf32>
      tpu.vector_store %arg10[%swap3A_350, %swap3A_351], %swap3A_354 {strides = array<i32>} : memref<16x128xf32, #tpu.memory_space<vmem>>, vector<1x16xf32>,
      %swap3A_355 = arith.index_cast %while3A_191 : i32 to index
      %swap3A_356 = arith.constant 64 : index
      %swap3A_357 = tpu.vector_load %arg10[%swap3A_355, %swap3A_356] {strides = array<i32>} : memref<16x128xf32, #tpu.memory_space<vmem>>, vector<1x16xf32>,
      %swap3A_358 = vector.shape_cast %swap3A_357 : vector<1x16xf32> to vector<16xf32>
      %swap3A_359 = vector.shape_cast %while3A_334#4 : vector<16xf32> to vector<1x16xf32>
      tpu.vector_store %arg10[%swap3A_355, %swap3A_356], %swap3A_359 {strides = array<i32>} : memref<16x128xf32, #tpu.memory_space<vmem>>, vector<1x16xf32>,
      %swap3A_360 = arith.index_cast %while3A_191 : i32 to index
      %swap3A_361 = arith.constant 80 : index
      %swap3A_362 = tpu.vector_load %arg10[%swap3A_360, %swap3A_361] {strides = array<i32>} : memref<16x128xf32, #tpu.memory_space<vmem>>, vector<1x16xf32>,
      %swap3A_363 = vector.shape_cast %swap3A_362 : vector<1x16xf32> to vector<16xf32>
      %swap3A_364 = vector.shape_cast %while3A_334#5 : vector<16xf32> to vector<1x16xf32>
      tpu.vector_store %arg10[%swap3A_360, %swap3A_361], %swap3A_364 {strides = array<i32>} : memref<16x128xf32, #tpu.memory_space<vmem>>, vector<1x16xf32>,
      %swap3A_365 = arith.index_cast %while3A_191 : i32 to index
      %swap3A_366 = arith.constant 96 : index
      %swap3A_367 = tpu.vector_load %arg10[%swap3A_365, %swap3A_366] {strides = array<i32>} : memref<16x128xf32, #tpu.memory_space<vmem>>, vector<1x16xf32>,
      %swap3A_368 = vector.shape_cast %swap3A_367 : vector<1x16xf32> to vector<16xf32>
      %swap3A_369 = vector.shape_cast %while3A_334#6 : vector<16xf32> to vector<1x16xf32>
      tpu.vector_store %arg10[%swap3A_365, %swap3A_366], %swap3A_369 {strides = array<i32>} : memref<16x128xf32, #tpu.memory_space<vmem>>, vector<1x16xf32>,
      %swap3A_370 = arith.index_cast %while3A_191 : i32 to index
      %swap3A_371 = arith.constant 112 : index
      %swap3A_372 = tpu.vector_load %arg10[%swap3A_370, %swap3A_371] {strides = array<i32>} : memref<16x128xf32, #tpu.memory_space<vmem>>, vector<1x16xf32>,
      %swap3A_373 = vector.shape_cast %swap3A_372 : vector<1x16xf32> to vector<16xf32>
      %swap3A_374 = vector.shape_cast %while3A_334#7 : vector<16xf32> to vector<1x16xf32>
      tpu.vector_store %arg10[%swap3A_370, %swap3A_371], %swap3A_374 {strides = array<i32>} : memref<16x128xf32, #tpu.memory_space<vmem>>, vector<1x16xf32>,
      %eq3A_375 = arith.constant 7 : i32
      %eq3A_376 = arith.cmpi eq, %while3A_191, %eq3A_375 : i32
      %eq3A_377 = arith.constant 15 : i32
      %eq3A_378 = arith.cmpi eq, %while3A_191, %eq3A_377 : i32
      %or3A_379 = arith.ori %eq3A_376, %eq3A_378 : i1
      %convert_element_type3A_380 = arith.extui %or3A_379 : i1 to i32
      %cond3A_381 = arith.constant 0 : i32
      %cond3A_382 = arith.cmpi ne, %convert_element_type3A_380, %cond3A_381 : i32
      scf.if %cond3A_382 {
        %shift_left3A = arith.constant 3 : i32
        %shift_left3A_390 = arith.shli %shift_right_arithmetic3A_222, %shift_left3A : i32
        %multiple_of3A_391 = tpu.assume_multiple %shift_left3A_390, 8 : i32
        %add3A_392 = arith.addi %sub3A_9, %while3A_187 : i32
        %sub3A_393 = arith.constant 7 : i32
        %sub3A_394 = arith.subi %add3A_392, %sub3A_393 : i32
        %multiple_of3A_395 = tpu.assume_multiple %sub3A_394, 8 : i32
        %dma_start3A_396 = arith.constant 0 : i32
        %dma_start3A_397 = tpu.memref_slice %arg10[%multiple_of3A_391, %dma_start3A_396] : memref<16x128xf32, #tpu.memory_space<vmem>> -> memref<8x128xf32, #tpu.memory_space<vmem>>
        %dma_start3A_398 = arith.constant 0 : i32
        %dma_start3A_399 = tpu.memref_slice %arg5[%multiple_of3A_395, %dma_start3A_398] : memref<25000x128xf32, #tpu.memory_space<hbm>> -> memref<8x128xf32, #tpu.memory_space<hbm>>
        %dma_start3A_400 = tpu.memref_slice %arg12[%shift_right_arithmetic3A_222] : memref<2x!tpu.dma_semaphore, #tpu.memory_space<semaphore_mem>> -> memref<1x!tpu.dma_semaphore, #tpu.memory_space<semaphore_mem>>
        %dma_start3A_401 = tpu.memref_squeeze %dma_start3A_400 : memref<1x!tpu.dma_semaphore, #tpu.memory_space<semaphore_mem>> -> memref<!tpu.dma_semaphore, #tpu.memory_space<semaphore_mem>>
        %dma_start3A_402 = arith.constant 0 : i32
        %dma_start3A_403 = tpu.memref_slice %arg5[%multiple_of3A_395, %dma_start3A_402] : memref<25000x128xf32, #tpu.memory_space<hbm>> -> memref<8x128xf32, #tpu.memory_space<hbm>>
        %dma_start3A_404 = arith.constant 0 : i32
        %dma_start3A_405 = tpu.memref_slice %arg10[%multiple_of3A_391, %dma_start3A_404] : memref<16x128xf32, #tpu.memory_space<vmem>> -> memref<8x128xf32, #tpu.memory_space<vmem>>
        tpu.enqueue_dma source(%dma_start3A_405 : memref<8x128xf32, #tpu.memory_space<vmem>>) target(%dma_start3A_403 : memref<8x128xf32, #tpu.memory_space<hbm>>) target_semaphore(%dma_start3A_401 : memref<!tpu.dma_semaphore, #tpu.memory_space<semaphore_mem>>)
      } else {
      }
      %eq3A_383 = arith.constant 15 : i32
      %eq3A_384 = arith.cmpi eq, %while3A_191, %eq3A_383 : i32
      %add3A_385 = arith.constant 1 : i32
      %add3A_386 = arith.addi %while3A_191, %add3A_385 : i32
      %jit3A_387 = arith.constant 0 : i32
      %select_n3A_388 = arith.select %eq3A_384, %jit3A_387, %add3A_386 : i32
      %add3A_389 = arith.addi %while3A_188, %add3A_197 : i32
      scf.yield %add3A_389, %select_n3A_207, %select_n3A_220, %select_n3A_388 : i32, i32, i32, i32
    }
    %while3A_156 = arith.constant 1 : i32
    %while3A_157:4 = scf.for %while3A_187 = %while3A_153 to %while3A_149 step %while3A_156 iter_args(%while3A_188 = %while3A_155#0, %while3A_189 = %while3A_155#1, %while3A_190 = %while3A_155#2, %while3A_191 = %while3A_155#3) -> (i32, i32, i32, i32)  : i32 {
      %add3A_192 = arith.addi %while3A_187, %sub3A_11 : i32
      %get3A = arith.index_cast %add3A_192 : i32 to index
      %get3A_193 = tpu.vector_load %arg7[%get3A] {strides = array<i32>} : memref<800xi32, #tpu.memory_space<vmem>>, vector<16xi32>,
      %get3A_194 = vector.shape_cast %get3A_193 : vector<16xi32> to vector<16xi32>
      %slice3A = vector.extract_strided_slice %get3A_194 {offsets = [0], sizes = [1], strides = [1]} : vector<16xi32> to vector<1xi32>
      %squeeze3A = vector.extract %slice3A[0] : i32 from vector<1xi32>
      %and3A_195 = arith.constant 1 : i32
      %and3A_196 = arith.andi %squeeze3A, %and3A_195 : i32
      %add3A_197 = arith.addi %squeeze3A, %and3A_196 : i32
      %add3A_198 = arith.addi %while3A_188, %add3A_197 : i32
      %sub3A_199 = arith.constant 1 : i32
      %sub3A_200 = arith.subi %add3A_198, %sub3A_199 : i32
      %shift_right_arithmetic3A_201 = arith.constant 7 : i32
      %shift_right_arithmetic3A_202 = arith.shrsi %sub3A_200, %shift_right_arithmetic3A_201 : i32
      %ge3A = arith.cmpi sge, %shift_right_arithmetic3A_202, %while3A_189 : i32
      %convert_element_type3A = arith.extui %ge3A : i1 to i32
      %cond3A = arith.constant 0 : i32
      %cond3A_203 = arith.cmpi ne, %convert_element_type3A, %cond3A : i32
      scf.if %cond3A_203 {
        %and3A_390 = arith.constant 3 : i32
        %and3A_391 = arith.andi %while3A_189, %and3A_390 : i32
        %dma_wait3A_392 = arith.constant 0 : i32
        %dma_wait3A_393 = arith.constant 0 : i32
        %dma_wait3A_394 = tpu.memref_slice %arg9[%dma_wait3A_392, %dma_wait3A_393] : memref<512x128xf32, #tpu.memory_space<vmem>> -> memref<128x128xf32, #tpu.memory_space<vmem>>
        %dma_wait3A_395 = arith.constant 0 : i32
        %dma_wait3A_396 = arith.constant 0 : i32
        %dma_wait3A_397 = tpu.memref_slice %arg2[%dma_wait3A_395, %dma_wait3A_396] : memref<50000x128xf32, #tpu.memory_space<hbm>> -> memref<128x128xf32, #tpu.memory_space<hbm>>
        %dma_wait3A_398 = tpu.memref_slice %arg11[%and3A_391] : memref<4x!tpu.dma_semaphore, #tpu.memory_space<semaphore_mem>> -> memref<1x!tpu.dma_semaphore, #tpu.memory_space<semaphore_mem>>
        %dma_wait3A_399 = tpu.memref_squeeze %dma_wait3A_398 : memref<1x!tpu.dma_semaphore, #tpu.memory_space<semaphore_mem>> -> memref<!tpu.dma_semaphore, #tpu.memory_space<semaphore_mem>>
        %dma_wait3A_400 = arith.constant 0 : i32
        %dma_wait3A_401 = arith.constant 0 : i32
        %dma_wait3A_402 = tpu.memref_slice %arg9[%dma_wait3A_400, %dma_wait3A_401] : memref<512x128xf32, #tpu.memory_space<vmem>> -> memref<128x128xf32, #tpu.memory_space<vmem>>
        %dma_wait3A_403 = arith.constant 0 : i32
        %dma_wait3A_404 = arith.constant 0 : i32
        %dma_wait3A_405 = tpu.memref_slice %arg2[%dma_wait3A_403, %dma_wait3A_404] : memref<50000x128xf32, #tpu.memory_space<hbm>> -> memref<128x128xf32, #tpu.memory_space<hbm>>
        tpu.wait_dma2 semaphore(%dma_wait3A_399 : memref<!tpu.dma_semaphore, #tpu.memory_space<semaphore_mem>>) src(%dma_wait3A_405 : memref<128x128xf32, #tpu.memory_space<hbm>>) dst(%dma_wait3A_402 : memref<128x128xf32, #tpu.memory_space<vmem>>)
      } else {
      }
      %ge3A_204 = arith.cmpi sge, %shift_right_arithmetic3A_202, %while3A_189 : i32
      %add3A_205 = arith.constant 1 : i32
      %add3A_206 = arith.addi %while3A_189, %add3A_205 : i32
      %select_n3A_207 = arith.select %ge3A_204, %add3A_206, %while3A_189 : i32
      %lt3A_208 = arith.cmpi slt, %while3A_190, %shift_right_arithmetic3A_77 : i32
      %sub3A_209 = arith.constant 4 : i32
      %sub3A_210 = arith.subi %while3A_190, %sub3A_209 : i32
      %shift_right_arithmetic3A_211 = arith.constant 7 : i32
      %shift_right_arithmetic3A_212 = arith.shrsi %while3A_188, %shift_right_arithmetic3A_211 : i32
      %lt3A_213 = arith.cmpi slt, %sub3A_210, %shift_right_arithmetic3A_212 : i32
      %and3A_214 = arith.andi %lt3A_208, %lt3A_213 : i1
      %convert_element_type3A_215 = arith.extui %and3A_214 : i1 to i32
      %cond3A_216 = arith.constant 0 : i32
      %cond3A_217 = arith.cmpi ne, %convert_element_type3A_215, %cond3A_216 : i32
      scf.if %cond3A_217 {
        %and3A_390 = arith.constant 3 : i32
        %and3A_391 = arith.andi %while3A_190, %and3A_390 : i32
        %mul3A_392 = arith.constant 128 : i32
        %mul3A_393 = arith.muli %and3A_391, %mul3A_392 : i32
        %multiple_of3A_394 = tpu.assume_multiple %mul3A_393, 128 : i32
        %mul3A_395 = arith.constant 128 : i32
        %mul3A_396 = arith.muli %while3A_190, %mul3A_395 : i32
        %dma_start3A_397 = arith.constant 0 : i32
        %dma_start3A_398 = tpu.memref_slice %arg9[%multiple_of3A_394, %dma_start3A_397] : memref<512x128xf32, #tpu.memory_space<vmem>> -> memref<128x128xf32, #tpu.memory_space<vmem>>
        %dma_start3A_399 = tpu.memref_slice %arg8[%mul3A_396] : memref<12704xi32, #tpu.memory_space<vmem>> -> memref<128xi32, #tpu.memory_space<vmem>>
        %dma_start3A_400 = arith.constant 0 : i32
        %dma_start3A_401 = arith.constant 0 : i32
        %dma_start3A_402 = tpu.memref_slice %arg2[%dma_start3A_400, %dma_start3A_401] : memref<50000x128xf32, #tpu.memory_space<hbm>> -> memref<50000x128xf32, #tpu.memory_space<hbm>>
        %dma_start3A_403 = tpu.memref_slice %arg11[%and3A_391] : memref<4x!tpu.dma_semaphore, #tpu.memory_space<semaphore_mem>> -> memref<1x!tpu.dma_semaphore, #tpu.memory_space<semaphore_mem>>
        %dma_start3A_404 = tpu.memref_squeeze %dma_start3A_403 : memref<1x!tpu.dma_semaphore, #tpu.memory_space<semaphore_mem>> -> memref<!tpu.dma_semaphore, #tpu.memory_space<semaphore_mem>>
        tpu.enqueue_indirect_dma source(%dma_start3A_402 : memref<50000x128xf32, #tpu.memory_space<hbm>>) target(%dma_start3A_398 : memref<128x128xf32, #tpu.memory_space<vmem>>) offsets(%dma_start3A_399 : memref<128xi32, #tpu.memory_space<vmem>>) semaphore(%dma_start3A_404 : memref<!tpu.dma_semaphore, #tpu.memory_space<semaphore_mem>>)
      } else {
      }
      %add3A_218 = arith.constant 1 : i32
      %add3A_219 = arith.addi %while3A_190, %add3A_218 : i32
      %select_n3A_220 = arith.select %and3A_214, %add3A_219, %while3A_190 : i32
      %shift_right_arithmetic3A_221 = arith.constant 3 : i32
      %shift_right_arithmetic3A_222 = arith.shrsi %while3A_191, %shift_right_arithmetic3A_221 : i32
      %eq3A = arith.constant 0 : i32
      %eq3A_223 = arith.cmpi eq, %while3A_191, %eq3A : i32
      %eq3A_224 = arith.constant 8 : i32
      %eq3A_225 = arith.cmpi eq, %while3A_191, %eq3A_224 : i32
      %or3A = arith.ori %eq3A_223, %eq3A_225 : i1
      %ge3A_226 = arith.constant 16 : i32
      %ge3A_227 = arith.cmpi sge, %while3A_187, %ge3A_226 : i32
      %and3A_228 = arith.andi %or3A, %ge3A_227 : i1
      %convert_element_type3A_229 = arith.extui %and3A_228 : i1 to i32
      %cond3A_230 = arith.constant 0 : i32
      %cond3A_231 = arith.cmpi ne, %convert_element_type3A_229, %cond3A_230 : i32
      scf.if %cond3A_231 {
        %dma_wait3A_390 = arith.constant 0 : i32
        %dma_wait3A_391 = arith.constant 0 : i32
        %dma_wait3A_392 = tpu.memref_slice %arg10[%dma_wait3A_390, %dma_wait3A_391] : memref<16x128xf32, #tpu.memory_space<vmem>> -> memref<8x128xf32, #tpu.memory_space<vmem>>
        %dma_wait3A_393 = arith.constant 0 : i32
        %dma_wait3A_394 = arith.constant 0 : i32
        %dma_wait3A_395 = tpu.memref_slice %arg5[%dma_wait3A_393, %dma_wait3A_394] : memref<25000x128xf32, #tpu.memory_space<hbm>> -> memref<8x128xf32, #tpu.memory_space<hbm>>
        %dma_wait3A_396 = tpu.memref_slice %arg12[%shift_right_arithmetic3A_222] : memref<2x!tpu.dma_semaphore, #tpu.memory_space<semaphore_mem>> -> memref<1x!tpu.dma_semaphore, #tpu.memory_space<semaphore_mem>>
        %dma_wait3A_397 = tpu.memref_squeeze %dma_wait3A_396 : memref<1x!tpu.dma_semaphore, #tpu.memory_space<semaphore_mem>> -> memref<!tpu.dma_semaphore, #tpu.memory_space<semaphore_mem>>
        %dma_wait3A_398 = arith.constant 0 : i32
        %dma_wait3A_399 = arith.constant 0 : i32
        %dma_wait3A_400 = tpu.memref_slice %arg5[%dma_wait3A_398, %dma_wait3A_399] : memref<25000x128xf32, #tpu.memory_space<hbm>> -> memref<8x128xf32, #tpu.memory_space<hbm>>
        %dma_wait3A_401 = arith.constant 0 : i32
        %dma_wait3A_402 = arith.constant 0 : i32
        %dma_wait3A_403 = tpu.memref_slice %arg10[%dma_wait3A_401, %dma_wait3A_402] : memref<16x128xf32, #tpu.memory_space<vmem>> -> memref<8x128xf32, #tpu.memory_space<vmem>>
        tpu.wait_dma2 semaphore(%dma_wait3A_397 : memref<!tpu.dma_semaphore, #tpu.memory_space<semaphore_mem>>) src(%dma_wait3A_403 : memref<8x128xf32, #tpu.memory_space<vmem>>) dst(%dma_wait3A_400 : memref<8x128xf32, #tpu.memory_space<hbm>>)
      } else {
      }
      %and3A_232 = arith.constant 511 : i32
      %and3A_233 = arith.andi %while3A_188, %and3A_232 : i32
      %get3A_234 = arith.index_cast %and3A_233 : i32 to index
      %get3A_235 = arith.constant 0 : index
      %get3A_236 = tpu.vector_load %arg9[%get3A_234, %get3A_235] {strides = array<i32>} : memref<512x128xf32, #tpu.memory_space<vmem>>, vector<1x16xf32>,
      %get3A_237 = vector.shape_cast %get3A_236 : vector<1x16xf32> to vector<16xf32>
      %get3A_238 = arith.index_cast %and3A_233 : i32 to index
      %get3A_239 = arith.constant 16 : index
      %get3A_240 = tpu.vector_load %arg9[%get3A_238, %get3A_239] {strides = array<i32>} : memref<512x128xf32, #tpu.memory_space<vmem>>, vector<1x16xf32>,
      %get3A_241 = vector.shape_cast %get3A_240 : vector<1x16xf32> to vector<16xf32>
      %get3A_242 = arith.index_cast %and3A_233 : i32 to index
      %get3A_243 = arith.constant 32 : index
      %get3A_244 = tpu.vector_load %arg9[%get3A_242, %get3A_243] {strides = array<i32>} : memref<512x128xf32, #tpu.memory_space<vmem>>, vector<1x16xf32>,
      %get3A_245 = vector.shape_cast %get3A_244 : vector<1x16xf32> to vector<16xf32>
      %get3A_246 = arith.index_cast %and3A_233 : i32 to index
      %get3A_247 = arith.constant 48 : index
      %get3A_248 = tpu.vector_load %arg9[%get3A_246, %get3A_247] {strides = array<i32>} : memref<512x128xf32, #tpu.memory_space<vmem>>, vector<1x16xf32>,
      %get3A_249 = vector.shape_cast %get3A_248 : vector<1x16xf32> to vector<16xf32>
      %get3A_250 = arith.index_cast %and3A_233 : i32 to index
      %get3A_251 = arith.constant 64 : index
      %get3A_252 = tpu.vector_load %arg9[%get3A_250, %get3A_251] {strides = array<i32>} : memref<512x128xf32, #tpu.memory_space<vmem>>, vector<1x16xf32>,
      %get3A_253 = vector.shape_cast %get3A_252 : vector<1x16xf32> to vector<16xf32>
      %get3A_254 = arith.index_cast %and3A_233 : i32 to index
      %get3A_255 = arith.constant 80 : index
      %get3A_256 = tpu.vector_load %arg9[%get3A_254, %get3A_255] {strides = array<i32>} : memref<512x128xf32, #tpu.memory_space<vmem>>, vector<1x16xf32>,
      %get3A_257 = vector.shape_cast %get3A_256 : vector<1x16xf32> to vector<16xf32>
      %get3A_258 = arith.index_cast %and3A_233 : i32 to index
      %get3A_259 = arith.constant 96 : index
      %get3A_260 = tpu.vector_load %arg9[%get3A_258, %get3A_259] {strides = array<i32>} : memref<512x128xf32, #tpu.memory_space<vmem>>, vector<1x16xf32>,
      %get3A_261 = vector.shape_cast %get3A_260 : vector<1x16xf32> to vector<16xf32>
      %get3A_262 = arith.index_cast %and3A_233 : i32 to index
      %get3A_263 = arith.constant 112 : index
      %get3A_264 = tpu.vector_load %arg9[%get3A_262, %get3A_263] {strides = array<i32>} : memref<512x128xf32, #tpu.memory_space<vmem>>, vector<1x16xf32>,
      %get3A_265 = vector.shape_cast %get3A_264 : vector<1x16xf32> to vector<16xf32>
      %add3A_266 = arith.constant 1 : i32
      %add3A_267 = arith.addi %and3A_233, %add3A_266 : i32
      %get3A_268 = arith.index_cast %add3A_267 : i32 to index
      %get3A_269 = arith.constant 0 : index
      %get3A_270 = tpu.vector_load %arg9[%get3A_268, %get3A_269] {strides = array<i32>} : memref<512x128xf32, #tpu.memory_space<vmem>>, vector<1x16xf32>,
      %get3A_271 = vector.shape_cast %get3A_270 : vector<1x16xf32> to vector<16xf32>
      %max3A_272 = arith.maximumf %get3A_237, %get3A_271 : vector<16xf32>
      %add3A_273 = arith.constant 1 : i32
      %add3A_274 = arith.addi %and3A_233, %add3A_273 : i32
      %get3A_275 = arith.index_cast %add3A_274 : i32 to index
      %get3A_276 = arith.constant 16 : index
      %get3A_277 = tpu.vector_load %arg9[%get3A_275, %get3A_276] {strides = array<i32>} : memref<512x128xf32, #tpu.memory_space<vmem>>, vector<1x16xf32>,
      %get3A_278 = vector.shape_cast %get3A_277 : vector<1x16xf32> to vector<16xf32>
      %max3A_279 = arith.maximumf %get3A_241, %get3A_278 : vector<16xf32>
      %add3A_280 = arith.constant 1 : i32
      %add3A_281 = arith.addi %and3A_233, %add3A_280 : i32
      %get3A_282 = arith.index_cast %add3A_281 : i32 to index
      %get3A_283 = arith.constant 32 : index
      %get3A_284 = tpu.vector_load %arg9[%get3A_282, %get3A_283] {strides = array<i32>} : memref<512x128xf32, #tpu.memory_space<vmem>>, vector<1x16xf32>,
      %get3A_285 = vector.shape_cast %get3A_284 : vector<1x16xf32> to vector<16xf32>
      %max3A_286 = arith.maximumf %get3A_245, %get3A_285 : vector<16xf32>
      %add3A_287 = arith.constant 1 : i32
      %add3A_288 = arith.addi %and3A_233, %add3A_287 : i32
      %get3A_289 = arith.index_cast %add3A_288 : i32 to index
      %get3A_290 = arith.constant 48 : index
      %get3A_291 = tpu.vector_load %arg9[%get3A_289, %get3A_290] {strides = array<i32>} : memref<512x128xf32, #tpu.memory_space<vmem>>, vector<1x16xf32>,
      %get3A_292 = vector.shape_cast %get3A_291 : vector<1x16xf32> to vector<16xf32>
      %max3A_293 = arith.maximumf %get3A_249, %get3A_292 : vector<16xf32>
      %add3A_294 = arith.constant 1 : i32
      %add3A_295 = arith.addi %and3A_233, %add3A_294 : i32
      %get3A_296 = arith.index_cast %add3A_295 : i32 to index
      %get3A_297 = arith.constant 64 : index
      %get3A_298 = tpu.vector_load %arg9[%get3A_296, %get3A_297] {strides = array<i32>} : memref<512x128xf32, #tpu.memory_space<vmem>>, vector<1x16xf32>,
      %get3A_299 = vector.shape_cast %get3A_298 : vector<1x16xf32> to vector<16xf32>
      %max3A_300 = arith.maximumf %get3A_253, %get3A_299 : vector<16xf32>
      %add3A_301 = arith.constant 1 : i32
      %add3A_302 = arith.addi %and3A_233, %add3A_301 : i32
      %get3A_303 = arith.index_cast %add3A_302 : i32 to index
      %get3A_304 = arith.constant 80 : index
      %get3A_305 = tpu.vector_load %arg9[%get3A_303, %get3A_304] {strides = array<i32>} : memref<512x128xf32, #tpu.memory_space<vmem>>, vector<1x16xf32>,
      %get3A_306 = vector.shape_cast %get3A_305 : vector<1x16xf32> to vector<16xf32>
      %max3A_307 = arith.maximumf %get3A_257, %get3A_306 : vector<16xf32>
      %add3A_308 = arith.constant 1 : i32
      %add3A_309 = arith.addi %and3A_233, %add3A_308 : i32
      %get3A_310 = arith.index_cast %add3A_309 : i32 to index
      %get3A_311 = arith.constant 96 : index
      %get3A_312 = tpu.vector_load %arg9[%get3A_310, %get3A_311] {strides = array<i32>} : memref<512x128xf32, #tpu.memory_space<vmem>>, vector<1x16xf32>,
      %get3A_313 = vector.shape_cast %get3A_312 : vector<1x16xf32> to vector<16xf32>
      %max3A_314 = arith.maximumf %get3A_261, %get3A_313 : vector<16xf32>
      %add3A_315 = arith.constant 1 : i32
      %add3A_316 = arith.addi %and3A_233, %add3A_315 : i32
      %get3A_317 = arith.index_cast %add3A_316 : i32 to index
      %get3A_318 = arith.constant 112 : index
      %get3A_319 = tpu.vector_load %arg9[%get3A_317, %get3A_318] {strides = array<i32>} : memref<512x128xf32, #tpu.memory_space<vmem>>, vector<1x16xf32>,
      %get3A_320 = vector.shape_cast %get3A_319 : vector<1x16xf32> to vector<16xf32>
      %max3A_321 = arith.maximumf %get3A_265, %get3A_320 : vector<16xf32>
      %shift_right_arithmetic3A_322 = arith.constant 1 : i32
      %shift_right_arithmetic3A_323 = arith.shrsi %add3A_197, %shift_right_arithmetic3A_322 : i32
      %while3A_324 = arith.constant 1 : i32
      %while3A_325 = arith.subi %shift_right_arithmetic3A_323, %while3A_324 : i32
      %while3A_326 = arith.addi %while3A_324, %while3A_325 : i32
      %while3A_327 = arith.constant 1 : i32
      %while3A_328 = arith.divsi %while3A_325, %while3A_327 : i32
      %while3A_329 = arith.muli %while3A_328, %while3A_327 : i32
      %while3A_330 = arith.addi %while3A_324, %while3A_329 : i32
      %while3A_331 = arith.constant 1 : i32
      %while3A_332:8 = scf.for %while3A_390 = %while3A_324 to %while3A_330 step %while3A_331 iter_args(%while3A_391 = %max3A_272, %while3A_392 = %max3A_279, %while3A_393 = %max3A_286, %while3A_394 = %max3A_293, %while3A_395 = %max3A_300, %while3A_396 = %max3A_307, %while3A_397 = %max3A_314, %while3A_398 = %max3A_321) -> (vector<16xf32>, vector<16xf32>, vector<16xf32>, vector<16xf32>, vector<16xf32>, vector<16xf32>, vector<16xf32>, vector<16xf32>)  : i32 {
        %mul3A_399 = arith.constant 2 : i32
        %mul3A_400 = arith.muli %mul3A_399, %while3A_390 : i32
        %add3A_401 = arith.addi %while3A_188, %mul3A_400 : i32
        %and3A_402 = arith.constant 511 : i32
        %and3A_403 = arith.andi %add3A_401, %and3A_402 : i32
        %get3A_404 = arith.index_cast %and3A_403 : i32 to index
        %get3A_405 = arith.constant 0 : index
        %get3A_406 = tpu.vector_load %arg9[%get3A_404, %get3A_405] {strides = array<i32>} : memref<512x128xf32, #tpu.memory_space<vmem>>, vector<1x16xf32>,
        %get3A_407 = vector.shape_cast %get3A_406 : vector<1x16xf32> to vector<16xf32>
        %max3A_408 = arith.maximumf %while3A_391, %get3A_407 : vector<16xf32>
        %add3A_409 = arith.constant 1 : i32
        %add3A_410 = arith.addi %and3A_403, %add3A_409 : i32
        %get3A_411 = arith.index_cast %add3A_410 : i32 to index
        %get3A_412 = arith.constant 0 : index
        %get3A_413 = tpu.vector_load %arg9[%get3A_411, %get3A_412] {strides = array<i32>} : memref<512x128xf32, #tpu.memory_space<vmem>>, vector<1x16xf32>,
        %get3A_414 = vector.shape_cast %get3A_413 : vector<1x16xf32> to vector<16xf32>
        %max3A_415 = arith.maximumf %max3A_408, %get3A_414 : vector<16xf32>
        %get3A_416 = arith.index_cast %and3A_403 : i32 to index
        %get3A_417 = arith.constant 16 : index
        %get3A_418 = tpu.vector_load %arg9[%get3A_416, %get3A_417] {strides = array<i32>} : memref<512x128xf32, #tpu.memory_space<vmem>>, vector<1x16xf32>,
        %get3A_419 = vector.shape_cast %get3A_418 : vector<1x16xf32> to vector<16xf32>
        %max3A_420 = arith.maximumf %while3A_392, %get3A_419 : vector<16xf32>
        %add3A_421 = arith.constant 1 : i32
        %add3A_422 = arith.addi %and3A_403, %add3A_421 : i32
        %get3A_423 = arith.index_cast %add3A_422 : i32 to index
        %get3A_424 = arith.constant 16 : index
        %get3A_425 = tpu.vector_load %arg9[%get3A_423, %get3A_424] {strides = array<i32>} : memref<512x128xf32, #tpu.memory_space<vmem>>, vector<1x16xf32>,
        %get3A_426 = vector.shape_cast %get3A_425 : vector<1x16xf32> to vector<16xf32>
        %max3A_427 = arith.maximumf %max3A_420, %get3A_426 : vector<16xf32>
        %get3A_428 = arith.index_cast %and3A_403 : i32 to index
        %get3A_429 = arith.constant 32 : index
        %get3A_430 = tpu.vector_load %arg9[%get3A_428, %get3A_429] {strides = array<i32>} : memref<512x128xf32, #tpu.memory_space<vmem>>, vector<1x16xf32>,
        %get3A_431 = vector.shape_cast %get3A_430 : vector<1x16xf32> to vector<16xf32>
        %max3A_432 = arith.maximumf %while3A_393, %get3A_431 : vector<16xf32>
        %add3A_433 = arith.constant 1 : i32
        %add3A_434 = arith.addi %and3A_403, %add3A_433 : i32
        %get3A_435 = arith.index_cast %add3A_434 : i32 to index
        %get3A_436 = arith.constant 32 : index
        %get3A_437 = tpu.vector_load %arg9[%get3A_435, %get3A_436] {strides = array<i32>} : memref<512x128xf32, #tpu.memory_space<vmem>>, vector<1x16xf32>,
        %get3A_438 = vector.shape_cast %get3A_437 : vector<1x16xf32> to vector<16xf32>
        %max3A_439 = arith.maximumf %max3A_432, %get3A_438 : vector<16xf32>
        %get3A_440 = arith.index_cast %and3A_403 : i32 to index
        %get3A_441 = arith.constant 48 : index
        %get3A_442 = tpu.vector_load %arg9[%get3A_440, %get3A_441] {strides = array<i32>} : memref<512x128xf32, #tpu.memory_space<vmem>>, vector<1x16xf32>,
        %get3A_443 = vector.shape_cast %get3A_442 : vector<1x16xf32> to vector<16xf32>
        %max3A_444 = arith.maximumf %while3A_394, %get3A_443 : vector<16xf32>
        %add3A_445 = arith.constant 1 : i32
        %add3A_446 = arith.addi %and3A_403, %add3A_445 : i32
        %get3A_447 = arith.index_cast %add3A_446 : i32 to index
        %get3A_448 = arith.constant 48 : index
        %get3A_449 = tpu.vector_load %arg9[%get3A_447, %get3A_448] {strides = array<i32>} : memref<512x128xf32, #tpu.memory_space<vmem>>, vector<1x16xf32>,
        %get3A_450 = vector.shape_cast %get3A_449 : vector<1x16xf32> to vector<16xf32>
        %max3A_451 = arith.maximumf %max3A_444, %get3A_450 : vector<16xf32>
        %get3A_452 = arith.index_cast %and3A_403 : i32 to index
        %get3A_453 = arith.constant 64 : index
        %get3A_454 = tpu.vector_load %arg9[%get3A_452, %get3A_453] {strides = array<i32>} : memref<512x128xf32, #tpu.memory_space<vmem>>, vector<1x16xf32>,
        %get3A_455 = vector.shape_cast %get3A_454 : vector<1x16xf32> to vector<16xf32>
        %max3A_456 = arith.maximumf %while3A_395, %get3A_455 : vector<16xf32>
        %add3A_457 = arith.constant 1 : i32
        %add3A_458 = arith.addi %and3A_403, %add3A_457 : i32
        %get3A_459 = arith.index_cast %add3A_458 : i32 to index
        %get3A_460 = arith.constant 64 : index
        %get3A_461 = tpu.vector_load %arg9[%get3A_459, %get3A_460] {strides = array<i32>} : memref<512x128xf32, #tpu.memory_space<vmem>>, vector<1x16xf32>,
        %get3A_462 = vector.shape_cast %get3A_461 : vector<1x16xf32> to vector<16xf32>
        %max3A_463 = arith.maximumf %max3A_456, %get3A_462 : vector<16xf32>
        %get3A_464 = arith.index_cast %and3A_403 : i32 to index
        %get3A_465 = arith.constant 80 : index
        %get3A_466 = tpu.vector_load %arg9[%get3A_464, %get3A_465] {strides = array<i32>} : memref<512x128xf32, #tpu.memory_space<vmem>>, vector<1x16xf32>,
        %get3A_467 = vector.shape_cast %get3A_466 : vector<1x16xf32> to vector<16xf32>
        %max3A_468 = arith.maximumf %while3A_396, %get3A_467 : vector<16xf32>
        %add3A_469 = arith.constant 1 : i32
        %add3A_470 = arith.addi %and3A_403, %add3A_469 : i32
        %get3A_471 = arith.index_cast %add3A_470 : i32 to index
        %get3A_472 = arith.constant 80 : index
        %get3A_473 = tpu.vector_load %arg9[%get3A_471, %get3A_472] {strides = array<i32>} : memref<512x128xf32, #tpu.memory_space<vmem>>, vector<1x16xf32>,
        %get3A_474 = vector.shape_cast %get3A_473 : vector<1x16xf32> to vector<16xf32>
        %max3A_475 = arith.maximumf %max3A_468, %get3A_474 : vector<16xf32>
        %get3A_476 = arith.index_cast %and3A_403 : i32 to index
        %get3A_477 = arith.constant 96 : index
        %get3A_478 = tpu.vector_load %arg9[%get3A_476, %get3A_477] {strides = array<i32>} : memref<512x128xf32, #tpu.memory_space<vmem>>, vector<1x16xf32>,
        %get3A_479 = vector.shape_cast %get3A_478 : vector<1x16xf32> to vector<16xf32>
        %max3A_480 = arith.maximumf %while3A_397, %get3A_479 : vector<16xf32>
        %add3A_481 = arith.constant 1 : i32
        %add3A_482 = arith.addi %and3A_403, %add3A_481 : i32
        %get3A_483 = arith.index_cast %add3A_482 : i32 to index
        %get3A_484 = arith.constant 96 : index
        %get3A_485 = tpu.vector_load %arg9[%get3A_483, %get3A_484] {strides = array<i32>} : memref<512x128xf32, #tpu.memory_space<vmem>>, vector<1x16xf32>,
        %get3A_486 = vector.shape_cast %get3A_485 : vector<1x16xf32> to vector<16xf32>
        %max3A_487 = arith.maximumf %max3A_480, %get3A_486 : vector<16xf32>
        %get3A_488 = arith.index_cast %and3A_403 : i32 to index
        %get3A_489 = arith.constant 112 : index
        %get3A_490 = tpu.vector_load %arg9[%get3A_488, %get3A_489] {strides = array<i32>} : memref<512x128xf32, #tpu.memory_space<vmem>>, vector<1x16xf32>,
        %get3A_491 = vector.shape_cast %get3A_490 : vector<1x16xf32> to vector<16xf32>
        %max3A_492 = arith.maximumf %while3A_398, %get3A_491 : vector<16xf32>
        %add3A_493 = arith.constant 1 : i32
        %add3A_494 = arith.addi %and3A_403, %add3A_493 : i32
        %get3A_495 = arith.index_cast %add3A_494 : i32 to index
        %get3A_496 = arith.constant 112 : index
        %get3A_497 = tpu.vector_load %arg9[%get3A_495, %get3A_496] {strides = array<i32>} : memref<512x128xf32, #tpu.memory_space<vmem>>, vector<1x16xf32>,
        %get3A_498 = vector.shape_cast %get3A_497 : vector<1x16xf32> to vector<16xf32>
        %max3A_499 = arith.maximumf %max3A_492, %get3A_498 : vector<16xf32>
        scf.yield %max3A_415, %max3A_427, %max3A_439, %max3A_451, %max3A_463, %max3A_475, %max3A_487, %max3A_499 : vector<16xf32>, vector<16xf32>, vector<16xf32>, vector<16xf32>, vector<16xf32>, vector<16xf32>, vector<16xf32>, vector<16xf32>
      }
      %while3A_333 = arith.constant 1 : i32
      %while3A_334:8 = scf.for %while3A_390 = %while3A_330 to %while3A_326 step %while3A_333 iter_args(%while3A_391 = %while3A_332#0, %while3A_392 = %while3A_332#1, %while3A_393 = %while3A_332#2, %while3A_394 = %while3A_332#3, %while3A_395 = %while3A_332#4, %while3A_396 = %while3A_332#5, %while3A_397 = %while3A_332#6, %while3A_398 = %while3A_332#7) -> (vector<16xf32>, vector<16xf32>, vector<16xf32>, vector<16xf32>, vector<16xf32>, vector<16xf32>, vector<16xf32>, vector<16xf32>)  : i32 {
        %mul3A_399 = arith.constant 2 : i32
        %mul3A_400 = arith.muli %mul3A_399, %while3A_390 : i32
        %add3A_401 = arith.addi %while3A_188, %mul3A_400 : i32
        %and3A_402 = arith.constant 511 : i32
        %and3A_403 = arith.andi %add3A_401, %and3A_402 : i32
        %get3A_404 = arith.index_cast %and3A_403 : i32 to index
        %get3A_405 = arith.constant 0 : index
        %get3A_406 = tpu.vector_load %arg9[%get3A_404, %get3A_405] {strides = array<i32>} : memref<512x128xf32, #tpu.memory_space<vmem>>, vector<1x16xf32>,
        %get3A_407 = vector.shape_cast %get3A_406 : vector<1x16xf32> to vector<16xf32>
        %max3A_408 = arith.maximumf %while3A_391, %get3A_407 : vector<16xf32>
        %add3A_409 = arith.constant 1 : i32
        %add3A_410 = arith.addi %and3A_403, %add3A_409 : i32
        %get3A_411 = arith.index_cast %add3A_410 : i32 to index
        %get3A_412 = arith.constant 0 : index
        %get3A_413 = tpu.vector_load %arg9[%get3A_411, %get3A_412] {strides = array<i32>} : memref<512x128xf32, #tpu.memory_space<vmem>>, vector<1x16xf32>,
        %get3A_414 = vector.shape_cast %get3A_413 : vector<1x16xf32> to vector<16xf32>
        %max3A_415 = arith.maximumf %max3A_408, %get3A_414 : vector<16xf32>
        %get3A_416 = arith.index_cast %and3A_403 : i32 to index
        %get3A_417 = arith.constant 16 : index
        %get3A_418 = tpu.vector_load %arg9[%get3A_416, %get3A_417] {strides = array<i32>} : memref<512x128xf32, #tpu.memory_space<vmem>>, vector<1x16xf32>,
        %get3A_419 = vector.shape_cast %get3A_418 : vector<1x16xf32> to vector<16xf32>
        %max3A_420 = arith.maximumf %while3A_392, %get3A_419 : vector<16xf32>
        %add3A_421 = arith.constant 1 : i32
        %add3A_422 = arith.addi %and3A_403, %add3A_421 : i32
        %get3A_423 = arith.index_cast %add3A_422 : i32 to index
        %get3A_424 = arith.constant 16 : index
        %get3A_425 = tpu.vector_load %arg9[%get3A_423, %get3A_424] {strides = array<i32>} : memref<512x128xf32, #tpu.memory_space<vmem>>, vector<1x16xf32>,
        %get3A_426 = vector.shape_cast %get3A_425 : vector<1x16xf32> to vector<16xf32>
        %max3A_427 = arith.maximumf %max3A_420, %get3A_426 : vector<16xf32>
        %get3A_428 = arith.index_cast %and3A_403 : i32 to index
        %get3A_429 = arith.constant 32 : index
        %get3A_430 = tpu.vector_load %arg9[%get3A_428, %get3A_429] {strides = array<i32>} : memref<512x128xf32, #tpu.memory_space<vmem>>, vector<1x16xf32>,
        %get3A_431 = vector.shape_cast %get3A_430 : vector<1x16xf32> to vector<16xf32>
        %max3A_432 = arith.maximumf %while3A_393, %get3A_431 : vector<16xf32>
        %add3A_433 = arith.constant 1 : i32
        %add3A_434 = arith.addi %and3A_403, %add3A_433 : i32
        %get3A_435 = arith.index_cast %add3A_434 : i32 to index
        %get3A_436 = arith.constant 32 : index
        %get3A_437 = tpu.vector_load %arg9[%get3A_435, %get3A_436] {strides = array<i32>} : memref<512x128xf32, #tpu.memory_space<vmem>>, vector<1x16xf32>,
        %get3A_438 = vector.shape_cast %get3A_437 : vector<1x16xf32> to vector<16xf32>
        %max3A_439 = arith.maximumf %max3A_432, %get3A_438 : vector<16xf32>
        %get3A_440 = arith.index_cast %and3A_403 : i32 to index
        %get3A_441 = arith.constant 48 : index
        %get3A_442 = tpu.vector_load %arg9[%get3A_440, %get3A_441] {strides = array<i32>} : memref<512x128xf32, #tpu.memory_space<vmem>>, vector<1x16xf32>,
        %get3A_443 = vector.shape_cast %get3A_442 : vector<1x16xf32> to vector<16xf32>
        %max3A_444 = arith.maximumf %while3A_394, %get3A_443 : vector<16xf32>
        %add3A_445 = arith.constant 1 : i32
        %add3A_446 = arith.addi %and3A_403, %add3A_445 : i32
        %get3A_447 = arith.index_cast %add3A_446 : i32 to index
        %get3A_448 = arith.constant 48 : index
        %get3A_449 = tpu.vector_load %arg9[%get3A_447, %get3A_448] {strides = array<i32>} : memref<512x128xf32, #tpu.memory_space<vmem>>, vector<1x16xf32>,
        %get3A_450 = vector.shape_cast %get3A_449 : vector<1x16xf32> to vector<16xf32>
        %max3A_451 = arith.maximumf %max3A_444, %get3A_450 : vector<16xf32>
        %get3A_452 = arith.index_cast %and3A_403 : i32 to index
        %get3A_453 = arith.constant 64 : index
        %get3A_454 = tpu.vector_load %arg9[%get3A_452, %get3A_453] {strides = array<i32>} : memref<512x128xf32, #tpu.memory_space<vmem>>, vector<1x16xf32>,
        %get3A_455 = vector.shape_cast %get3A_454 : vector<1x16xf32> to vector<16xf32>
        %max3A_456 = arith.maximumf %while3A_395, %get3A_455 : vector<16xf32>
        %add3A_457 = arith.constant 1 : i32
        %add3A_458 = arith.addi %and3A_403, %add3A_457 : i32
        %get3A_459 = arith.index_cast %add3A_458 : i32 to index
        %get3A_460 = arith.constant 64 : index
        %get3A_461 = tpu.vector_load %arg9[%get3A_459, %get3A_460] {strides = array<i32>} : memref<512x128xf32, #tpu.memory_space<vmem>>, vector<1x16xf32>,
        %get3A_462 = vector.shape_cast %get3A_461 : vector<1x16xf32> to vector<16xf32>
        %max3A_463 = arith.maximumf %max3A_456, %get3A_462 : vector<16xf32>
        %get3A_464 = arith.index_cast %and3A_403 : i32 to index
        %get3A_465 = arith.constant 80 : index
        %get3A_466 = tpu.vector_load %arg9[%get3A_464, %get3A_465] {strides = array<i32>} : memref<512x128xf32, #tpu.memory_space<vmem>>, vector<1x16xf32>,
        %get3A_467 = vector.shape_cast %get3A_466 : vector<1x16xf32> to vector<16xf32>
        %max3A_468 = arith.maximumf %while3A_396, %get3A_467 : vector<16xf32>
        %add3A_469 = arith.constant 1 : i32
        %add3A_470 = arith.addi %and3A_403, %add3A_469 : i32
        %get3A_471 = arith.index_cast %add3A_470 : i32 to index
        %get3A_472 = arith.constant 80 : index
        %get3A_473 = tpu.vector_load %arg9[%get3A_471, %get3A_472] {strides = array<i32>} : memref<512x128xf32, #tpu.memory_space<vmem>>, vector<1x16xf32>,
        %get3A_474 = vector.shape_cast %get3A_473 : vector<1x16xf32> to vector<16xf32>
        %max3A_475 = arith.maximumf %max3A_468, %get3A_474 : vector<16xf32>
        %get3A_476 = arith.index_cast %and3A_403 : i32 to index
        %get3A_477 = arith.constant 96 : index
        %get3A_478 = tpu.vector_load %arg9[%get3A_476, %get3A_477] {strides = array<i32>} : memref<512x128xf32, #tpu.memory_space<vmem>>, vector<1x16xf32>,
        %get3A_479 = vector.shape_cast %get3A_478 : vector<1x16xf32> to vector<16xf32>
        %max3A_480 = arith.maximumf %while3A_397, %get3A_479 : vector<16xf32>
        %add3A_481 = arith.constant 1 : i32
        %add3A_482 = arith.addi %and3A_403, %add3A_481 : i32
        %get3A_483 = arith.index_cast %add3A_482 : i32 to index
        %get3A_484 = arith.constant 96 : index
        %get3A_485 = tpu.vector_load %arg9[%get3A_483, %get3A_484] {strides = array<i32>} : memref<512x128xf32, #tpu.memory_space<vmem>>, vector<1x16xf32>,
        %get3A_486 = vector.shape_cast %get3A_485 : vector<1x16xf32> to vector<16xf32>
        %max3A_487 = arith.maximumf %max3A_480, %get3A_486 : vector<16xf32>
        %get3A_488 = arith.index_cast %and3A_403 : i32 to index
        %get3A_489 = arith.constant 112 : index
        %get3A_490 = tpu.vector_load %arg9[%get3A_488, %get3A_489] {strides = array<i32>} : memref<512x128xf32, #tpu.memory_space<vmem>>, vector<1x16xf32>,
        %get3A_491 = vector.shape_cast %get3A_490 : vector<1x16xf32> to vector<16xf32>
        %max3A_492 = arith.maximumf %while3A_398, %get3A_491 : vector<16xf32>
        %add3A_493 = arith.constant 1 : i32
        %add3A_494 = arith.addi %and3A_403, %add3A_493 : i32
        %get3A_495 = arith.index_cast %add3A_494 : i32 to index
        %get3A_496 = arith.constant 112 : index
        %get3A_497 = tpu.vector_load %arg9[%get3A_495, %get3A_496] {strides = array<i32>} : memref<512x128xf32, #tpu.memory_space<vmem>>, vector<1x16xf32>,
        %get3A_498 = vector.shape_cast %get3A_497 : vector<1x16xf32> to vector<16xf32>
        %max3A_499 = arith.maximumf %max3A_492, %get3A_498 : vector<16xf32>
        scf.yield %max3A_415, %max3A_427, %max3A_439, %max3A_451, %max3A_463, %max3A_475, %max3A_487, %max3A_499 : vector<16xf32>, vector<16xf32>, vector<16xf32>, vector<16xf32>, vector<16xf32>, vector<16xf32>, vector<16xf32>, vector<16xf32>
      }
      %swap3A_335 = arith.index_cast %while3A_191 : i32 to index
      %swap3A_336 = arith.constant 0 : index
      %swap3A_337 = tpu.vector_load %arg10[%swap3A_335, %swap3A_336] {strides = array<i32>} : memref<16x128xf32, #tpu.memory_space<vmem>>, vector<1x16xf32>,
      %swap3A_338 = vector.shape_cast %swap3A_337 : vector<1x16xf32> to vector<16xf32>
      %swap3A_339 = vector.shape_cast %while3A_334#0 : vector<16xf32> to vector<1x16xf32>
      tpu.vector_store %arg10[%swap3A_335, %swap3A_336], %swap3A_339 {strides = array<i32>} : memref<16x128xf32, #tpu.memory_space<vmem>>, vector<1x16xf32>,
      %swap3A_340 = arith.index_cast %while3A_191 : i32 to index
      %swap3A_341 = arith.constant 16 : index
      %swap3A_342 = tpu.vector_load %arg10[%swap3A_340, %swap3A_341] {strides = array<i32>} : memref<16x128xf32, #tpu.memory_space<vmem>>, vector<1x16xf32>,
      %swap3A_343 = vector.shape_cast %swap3A_342 : vector<1x16xf32> to vector<16xf32>
      %swap3A_344 = vector.shape_cast %while3A_334#1 : vector<16xf32> to vector<1x16xf32>
      tpu.vector_store %arg10[%swap3A_340, %swap3A_341], %swap3A_344 {strides = array<i32>} : memref<16x128xf32, #tpu.memory_space<vmem>>, vector<1x16xf32>,
      %swap3A_345 = arith.index_cast %while3A_191 : i32 to index
      %swap3A_346 = arith.constant 32 : index
      %swap3A_347 = tpu.vector_load %arg10[%swap3A_345, %swap3A_346] {strides = array<i32>} : memref<16x128xf32, #tpu.memory_space<vmem>>, vector<1x16xf32>,
      %swap3A_348 = vector.shape_cast %swap3A_347 : vector<1x16xf32> to vector<16xf32>
      %swap3A_349 = vector.shape_cast %while3A_334#2 : vector<16xf32> to vector<1x16xf32>
      tpu.vector_store %arg10[%swap3A_345, %swap3A_346], %swap3A_349 {strides = array<i32>} : memref<16x128xf32, #tpu.memory_space<vmem>>, vector<1x16xf32>,
      %swap3A_350 = arith.index_cast %while3A_191 : i32 to index
      %swap3A_351 = arith.constant 48 : index
      %swap3A_352 = tpu.vector_load %arg10[%swap3A_350, %swap3A_351] {strides = array<i32>} : memref<16x128xf32, #tpu.memory_space<vmem>>, vector<1x16xf32>,
      %swap3A_353 = vector.shape_cast %swap3A_352 : vector<1x16xf32> to vector<16xf32>
      %swap3A_354 = vector.shape_cast %while3A_334#3 : vector<16xf32> to vector<1x16xf32>
      tpu.vector_store %arg10[%swap3A_350, %swap3A_351], %swap3A_354 {strides = array<i32>} : memref<16x128xf32, #tpu.memory_space<vmem>>, vector<1x16xf32>,
      %swap3A_355 = arith.index_cast %while3A_191 : i32 to index
      %swap3A_356 = arith.constant 64 : index
      %swap3A_357 = tpu.vector_load %arg10[%swap3A_355, %swap3A_356] {strides = array<i32>} : memref<16x128xf32, #tpu.memory_space<vmem>>, vector<1x16xf32>,
      %swap3A_358 = vector.shape_cast %swap3A_357 : vector<1x16xf32> to vector<16xf32>
      %swap3A_359 = vector.shape_cast %while3A_334#4 : vector<16xf32> to vector<1x16xf32>
      tpu.vector_store %arg10[%swap3A_355, %swap3A_356], %swap3A_359 {strides = array<i32>} : memref<16x128xf32, #tpu.memory_space<vmem>>, vector<1x16xf32>,
      %swap3A_360 = arith.index_cast %while3A_191 : i32 to index
      %swap3A_361 = arith.constant 80 : index
      %swap3A_362 = tpu.vector_load %arg10[%swap3A_360, %swap3A_361] {strides = array<i32>} : memref<16x128xf32, #tpu.memory_space<vmem>>, vector<1x16xf32>,
      %swap3A_363 = vector.shape_cast %swap3A_362 : vector<1x16xf32> to vector<16xf32>
      %swap3A_364 = vector.shape_cast %while3A_334#5 : vector<16xf32> to vector<1x16xf32>
      tpu.vector_store %arg10[%swap3A_360, %swap3A_361], %swap3A_364 {strides = array<i32>} : memref<16x128xf32, #tpu.memory_space<vmem>>, vector<1x16xf32>,
      %swap3A_365 = arith.index_cast %while3A_191 : i32 to index
      %swap3A_366 = arith.constant 96 : index
      %swap3A_367 = tpu.vector_load %arg10[%swap3A_365, %swap3A_366] {strides = array<i32>} : memref<16x128xf32, #tpu.memory_space<vmem>>, vector<1x16xf32>,
      %swap3A_368 = vector.shape_cast %swap3A_367 : vector<1x16xf32> to vector<16xf32>
      %swap3A_369 = vector.shape_cast %while3A_334#6 : vector<16xf32> to vector<1x16xf32>
      tpu.vector_store %arg10[%swap3A_365, %swap3A_366], %swap3A_369 {strides = array<i32>} : memref<16x128xf32, #tpu.memory_space<vmem>>, vector<1x16xf32>,
      %swap3A_370 = arith.index_cast %while3A_191 : i32 to index
      %swap3A_371 = arith.constant 112 : index
      %swap3A_372 = tpu.vector_load %arg10[%swap3A_370, %swap3A_371] {strides = array<i32>} : memref<16x128xf32, #tpu.memory_space<vmem>>, vector<1x16xf32>,
      %swap3A_373 = vector.shape_cast %swap3A_372 : vector<1x16xf32> to vector<16xf32>
      %swap3A_374 = vector.shape_cast %while3A_334#7 : vector<16xf32> to vector<1x16xf32>
      tpu.vector_store %arg10[%swap3A_370, %swap3A_371], %swap3A_374 {strides = array<i32>} : memref<16x128xf32, #tpu.memory_space<vmem>>, vector<1x16xf32>,
      %eq3A_375 = arith.constant 7 : i32
      %eq3A_376 = arith.cmpi eq, %while3A_191, %eq3A_375 : i32
      %eq3A_377 = arith.constant 15 : i32
      %eq3A_378 = arith.cmpi eq, %while3A_191, %eq3A_377 : i32
      %or3A_379 = arith.ori %eq3A_376, %eq3A_378 : i1
      %convert_element_type3A_380 = arith.extui %or3A_379 : i1 to i32
      %cond3A_381 = arith.constant 0 : i32
      %cond3A_382 = arith.cmpi ne, %convert_element_type3A_380, %cond3A_381 : i32
      scf.if %cond3A_382 {
        %shift_left3A = arith.constant 3 : i32
        %shift_left3A_390 = arith.shli %shift_right_arithmetic3A_222, %shift_left3A : i32
        %multiple_of3A_391 = tpu.assume_multiple %shift_left3A_390, 8 : i32
        %add3A_392 = arith.addi %sub3A_9, %while3A_187 : i32
        %sub3A_393 = arith.constant 7 : i32
        %sub3A_394 = arith.subi %add3A_392, %sub3A_393 : i32
        %multiple_of3A_395 = tpu.assume_multiple %sub3A_394, 8 : i32
        %dma_start3A_396 = arith.constant 0 : i32
        %dma_start3A_397 = tpu.memref_slice %arg10[%multiple_of3A_391, %dma_start3A_396] : memref<16x128xf32, #tpu.memory_space<vmem>> -> memref<8x128xf32, #tpu.memory_space<vmem>>
        %dma_start3A_398 = arith.constant 0 : i32
        %dma_start3A_399 = tpu.memref_slice %arg5[%multiple_of3A_395, %dma_start3A_398] : memref<25000x128xf32, #tpu.memory_space<hbm>> -> memref<8x128xf32, #tpu.memory_space<hbm>>
        %dma_start3A_400 = tpu.memref_slice %arg12[%shift_right_arithmetic3A_222] : memref<2x!tpu.dma_semaphore, #tpu.memory_space<semaphore_mem>> -> memref<1x!tpu.dma_semaphore, #tpu.memory_space<semaphore_mem>>
        %dma_start3A_401 = tpu.memref_squeeze %dma_start3A_400 : memref<1x!tpu.dma_semaphore, #tpu.memory_space<semaphore_mem>> -> memref<!tpu.dma_semaphore, #tpu.memory_space<semaphore_mem>>
        %dma_start3A_402 = arith.constant 0 : i32
        %dma_start3A_403 = tpu.memref_slice %arg5[%multiple_of3A_395, %dma_start3A_402] : memref<25000x128xf32, #tpu.memory_space<hbm>> -> memref<8x128xf32, #tpu.memory_space<hbm>>
        %dma_start3A_404 = arith.constant 0 : i32
        %dma_start3A_405 = tpu.memref_slice %arg10[%multiple_of3A_391, %dma_start3A_404] : memref<16x128xf32, #tpu.memory_space<vmem>> -> memref<8x128xf32, #tpu.memory_space<vmem>>
        tpu.enqueue_dma source(%dma_start3A_405 : memref<8x128xf32, #tpu.memory_space<vmem>>) target(%dma_start3A_403 : memref<8x128xf32, #tpu.memory_space<hbm>>) target_semaphore(%dma_start3A_401 : memref<!tpu.dma_semaphore, #tpu.memory_space<semaphore_mem>>)
      } else {
      }
      %eq3A_383 = arith.constant 15 : i32
      %eq3A_384 = arith.cmpi eq, %while3A_191, %eq3A_383 : i32
      %add3A_385 = arith.constant 1 : i32
      %add3A_386 = arith.addi %while3A_191, %add3A_385 : i32
      %jit3A_387 = arith.constant 0 : i32
      %select_n3A_388 = arith.select %eq3A_384, %jit3A_387, %add3A_386 : i32
      %add3A_389 = arith.addi %while3A_188, %add3A_197 : i32
      scf.yield %add3A_389, %select_n3A_207, %select_n3A_220, %select_n3A_388 : i32, i32, i32, i32
    }
    %dma_wait3A = arith.constant 0 : i32
    %dma_wait3A_158 = arith.constant 0 : i32
    %dma_wait3A_159 = arith.constant 0 : i32
    %dma_wait3A_160 = tpu.memref_slice %arg10[%dma_wait3A_158, %dma_wait3A_159] : memref<16x128xf32, #tpu.memory_space<vmem>> -> memref<8x128xf32, #tpu.memory_space<vmem>>
    %dma_wait3A_161 = arith.constant 0 : i32
    %dma_wait3A_162 = arith.constant 0 : i32
    %dma_wait3A_163 = tpu.memref_slice %arg5[%dma_wait3A_161, %dma_wait3A_162] : memref<25000x128xf32, #tpu.memory_space<hbm>> -> memref<8x128xf32, #tpu.memory_space<hbm>>
    %dma_wait3A_164 = tpu.memref_slice %arg12[%dma_wait3A] : memref<2x!tpu.dma_semaphore, #tpu.memory_space<semaphore_mem>> -> memref<1x!tpu.dma_semaphore, #tpu.memory_space<semaphore_mem>>
    %dma_wait3A_165 = tpu.memref_squeeze %dma_wait3A_164 : memref<1x!tpu.dma_semaphore, #tpu.memory_space<semaphore_mem>> -> memref<!tpu.dma_semaphore, #tpu.memory_space<semaphore_mem>>
    %dma_wait3A_166 = arith.constant 0 : i32
    %dma_wait3A_167 = arith.constant 0 : i32
    %dma_wait3A_168 = tpu.memref_slice %arg5[%dma_wait3A_166, %dma_wait3A_167] : memref<25000x128xf32, #tpu.memory_space<hbm>> -> memref<8x128xf32, #tpu.memory_space<hbm>>
    %dma_wait3A_169 = arith.constant 0 : i32
    %dma_wait3A_170 = arith.constant 0 : i32
    %dma_wait3A_171 = tpu.memref_slice %arg10[%dma_wait3A_169, %dma_wait3A_170] : memref<16x128xf32, #tpu.memory_space<vmem>> -> memref<8x128xf32, #tpu.memory_space<vmem>>
    tpu.wait_dma2 semaphore(%dma_wait3A_165 : memref<!tpu.dma_semaphore, #tpu.memory_space<semaphore_mem>>) src(%dma_wait3A_171 : memref<8x128xf32, #tpu.memory_space<vmem>>) dst(%dma_wait3A_168 : memref<8x128xf32, #tpu.memory_space<hbm>>)
    %dma_wait3A_172 = arith.constant 1 : i32
    %dma_wait3A_173 = arith.constant 0 : i32
    %dma_wait3A_174 = arith.constant 0 : i32
    %dma_wait3A_175 = tpu.memref_slice %arg10[%dma_wait3A_173, %dma_wait3A_174] : memref<16x128xf32, #tpu.memory_space<vmem>> -> memref<8x128xf32, #tpu.memory_space<vmem>>
    %dma_wait3A_176 = arith.constant 0 : i32
    %dma_wait3A_177 = arith.constant 0 : i32
    %dma_wait3A_178 = tpu.memref_slice %arg5[%dma_wait3A_176, %dma_wait3A_177] : memref<25000x128xf32, #tpu.memory_space<hbm>> -> memref<8x128xf32, #tpu.memory_space<hbm>>
    %dma_wait3A_179 = tpu.memref_slice %arg12[%dma_wait3A_172] : memref<2x!tpu.dma_semaphore, #tpu.memory_space<semaphore_mem>> -> memref<1x!tpu.dma_semaphore, #tpu.memory_space<semaphore_mem>>
    %dma_wait3A_180 = tpu.memref_squeeze %dma_wait3A_179 : memref<1x!tpu.dma_semaphore, #tpu.memory_space<semaphore_mem>> -> memref<!tpu.dma_semaphore, #tpu.memory_space<semaphore_mem>>
    %dma_wait3A_181 = arith.constant 0 : i32
    %dma_wait3A_182 = arith.constant 0 : i32
    %dma_wait3A_183 = tpu.memref_slice %arg5[%dma_wait3A_181, %dma_wait3A_182] : memref<25000x128xf32, #tpu.memory_space<hbm>> -> memref<8x128xf32, #tpu.memory_space<hbm>>
    %dma_wait3A_184 = arith.constant 0 : i32
    %dma_wait3A_185 = arith.constant 0 : i32
    %dma_wait3A_186 = tpu.memref_slice %arg10[%dma_wait3A_184, %dma_wait3A_185] : memref<16x128xf32, #tpu.memory_space<vmem>> -> memref<8x128xf32, #tpu.memory_space<vmem>>
    tpu.wait_dma2 semaphore(%dma_wait3A_180 : memref<!tpu.dma_semaphore, #tpu.memory_space<semaphore_mem>>) src(%dma_wait3A_186 : memref<8x128xf32, #tpu.memory_space<vmem>>) dst(%dma_wait3A_183 : memref<8x128xf32, #tpu.memory_space<hbm>>)
    return
  }
}

</mosaic_0001>

<sc_bundles>
// kernel: kernel.3.cloned.1.call-start
scs
__scs_entry_jumppad:
0x0: {  	(pc) =	sbr.rel $0x88, $3  }
0x1: {  	(tag) =	ssettag $0x0;
	lr =	simm.s32 $0x1  }
0x2: {  	[smem:$0x3F9E] =	sst lr;
	_ =	strace $0xD0000000  }
0x3: {  	_ = 	snop  }
0x4: {  	_ = 	snop  }
0x5: {  	_ = 	snop  }
0x6: {  	_ = 	snop  }
0x7: {  	_ = 	snop  }
__scs_overlays_trampoline_lowered:
0x8: {  	[smem:$0x3FAD] =	sst s0  }
0x9: {  	[smem:$0x3FAE] =	sst s1  }
0xa: {  	[smem:$0x3FAF] =	sst s2  }
0xb: {  	[smem:$0x3FB0] =	sst s3  }
0xc: {  	[smem:$0x3FB1] =	sst s4  }
0xd: {  	[smem:$0x3FB2] =	sst s5  }
0xe: {  	[smem:$0x3FB3] =	sst s6  }
0xf: {  	[smem:$0x3FB4] =	sst s7  }
0x10: {  	[smem:$0x3FB5] =	sst s8  }
0x11: {  	[smem:$0x3FB6] =	sst s9;
	s0 =	simm.s32 @!p0 $0x0  }
0x12: {  	s1 =	sld [smem:$0x3F9C];
	s0 =	simm.s32 @p0 $0x1  }
0x13: {  	[smem:$0x3FB7] =	sst s0;
	s0 =	simm.s32 @!p1 $0x0  }
0x14: {  	s2 =	sld [smem:$0x3F9B];
	s0 =	simm.s32 @p1 $0x1  }
0x15: {  	[smem:$0x3FB8] =	sst s0;
	s0 =	simm.s32 @!p2 $0x0  }
0x16: {  	s3 =	sld [smem:$0x3FDB];
	s0 =	simm.s32 @p2 $0x1  }
0x17: {  	s4 =	simm.s32 $0x1BF5;
	[smem:$0x3FBA] =	sst s0  }
0x18: {  	s0 =	sld [smem:$0x3F9D];
	_ =	swait.ge [sflag:s4], $0x0  }
0x19: {  	s7 =	sld [smem:$0x3F9E]  }
0x1a: {  	s8 =	sadd.s32 $0xFFFFE003, lr  }
0x1b: {  	s9 =	sadd.s32 $0xFFFFFEF7, lr;
	s5 =	simm.s32 $0xFFFFFFFF;
	p2 =	slt.u32 s8, $0xFFFFF086  }
0x1c: {  	p1 =	slt.u32 s9, $0xF7A;
	s5 =	simm.s32 @!p2 $0x0  }
0x1d: {  	s5 =	simm.s32 @p1 $0x1;
	p0 =	seq.s32 s7, s2  }
0x1e: {  	s7 =	smul.u32 @!p0 $0xF7A, s2;
	p2 =	seq.s32 @!p0 s5, $0x0  }
0x1f: {  	s9 =	smul.u32 $0xF7A, s1;
	s8 =	simm.s32 @!p0 $0x1BF5;
	p2 =	por !p2, p0  }
0x20: {  	[sflag:s8] =	ssyncset.s32 @!p0 $0xFFFFF086;
	s6 =	sadd.s32 @!p0 s3, s7;
	s7 =	simm.s32 @!p0 $0x108  }
0x21: {  	s3 =	sadd.s32 s3, s9;
	s6 =	sadd.s32 @!p0 $0x88, s6;
	s7 =	simm.s32 @p2 $0x1082  }
0x22: {  	[simem:s7], [sflag:s8] =	dma.local @!p0 [hbm:s6], $0xF7A  }
0x23: {  	s9 =	sor.u32 $0xD0000000, s2;
	s6 =	simm.s32 $0x108;
	_ =	swait.ge @!p0 [sflag:s8], $0x0  }
0x24: {  	s3 =	sadd.s32 $0x88, s3;
	s6 =	simm.s32 @!p1 $0x1082;
	[sflag:s4] =	ssyncset.s32 $0xFFFFF086  }
0x25: {  	[simem:s6], [sflag:s4] =	dma.local [hbm:s3], $0xF7A  }
0x26: {  	[smem:$0x3F9E] =	sst s1;
	(tag) =	ssettag s2;
	_ =	strace s9  }
0x27: {  	s1 =	sld [smem:$0x3FAE]  }
0x28: {  	s2 =	sld [smem:$0x3FAF]  }
0x29: {  	s4 =	sld [smem:$0x3FB1]  }
0x2a: {  	p0 =	seq.s32 s5, $0x0;
	s5 =	sld [smem:$0x3FB2]  }
0x2b: {  	s6 =	sld [smem:$0x3FB3]  }
0x2c: {  	s7 =	sld [smem:$0x3FB4]  }
0x2d: {  	s3 =	simm.s32 $0x108;
	s8 =	sld [smem:$0x3FB5]  }
0x2e: {  	s3 =	simm.s32 @!p0 $0x1082;
	s9 =	sld [smem:$0x3FB6]  }
0x2f: {  	lr =	sadd.s32 s0, s3;
	s0 =	sld [smem:$0x3FAD]  }
0x30: {  	s3 =	sld [smem:$0x3FB0]  }
0x31: {  	[smem:$0x3FB9] =	sst s10  }
0x32: {  	s10 =	sld [smem:$0x3FB7];
	_ =	sdelay $0x3  }
0x33: {  	p0 =	seq.s32 s10, $0x1;
	s10 =	sld [smem:$0x3FB9];
	_ =	sdelay $0x3  }
0x34: {  	[smem:$0x3FB9] =	sst s10  }
0x35: {  	s10 =	sld [smem:$0x3FB8];
	_ =	sdelay $0x3  }
0x36: {  	p1 =	seq.s32 s10, $0x1;
	s10 =	sld [smem:$0x3FB9];
	_ =	sdelay $0x3  }
0x37: {  	[smem:$0x3FB9] =	sst s10  }
0x38: {  	s10 =	sld [smem:$0x3FBA]  }
0x39: {  	_ = 	snop;
	(pc) =	sbr.ind lr, $3  }
0x3a: {  	_ = 	snop  }
0x3b: {  	_ = 	snop  }
0x3c: {  	p2 =	seq.s32 s10, $0x1;
	s10 =	sld [smem:$0x3FB9]  }
0x3d: {  	_ =	shalt  }
0x3e: {  	_ =	shalt  }
0x3f: {  	_ =	shalt  }
0x40: {  	_ =	shalt  }
0x41: {  	_ =	shalt  }
0x42: {  	_ =	shalt  }
0x43: {  	_ =	shalt  }
0x44: {  	_ =	shalt  }
0x45: {  	_ =	shalt  }
0x46: {  	_ =	shalt  }
0x47: {  	_ =	shalt  }
0x48: {  	_ =	shalt  }
0x49: {  	_ =	shalt  }
0x4a: {  	_ =	shalt  }
0x4b: {  	_ =	shalt  }
0x4c: {  	_ =	shalt  }
0x4d: {  	_ =	shalt  }
0x4e: {  	_ =	shalt  }
0x4f: {  	_ =	shalt  }
0x50: {  	_ =	shalt  }
0x51: {  	_ =	shalt  }
0x52: {  	_ =	shalt  }
0x53: {  	_ =	shalt  }
0x54: {  	_ =	shalt  }
0x55: {  	_ =	shalt  }
0x56: {  	_ =	shalt  }
0x57: {  	_ =	shalt  }
0x58: {  	_ =	shalt  }
0x59: {  	_ =	shalt  }
0x5a: {  	_ =	shalt  }
0x5b: {  	_ =	shalt  }
0x5c: {  	_ =	shalt  }
0x5d: {  	_ =	shalt  }
0x5e: {  	_ =	shalt  }
0x5f: {  	_ =	shalt  }
0x60: {  	_ =	shalt  }
0x61: {  	_ =	shalt  }
0x62: {  	_ =	shalt  }
0x63: {  	_ =	shalt  }
0x64: {  	_ =	shalt  }
0x65: {  	_ =	shalt  }
0x66: {  	_ =	shalt  }
0x67: {  	_ =	shalt  }
0x68: {  	_ =	shalt  }
0x69: {  	_ =	shalt  }
0x6a: {  	_ =	shalt  }
0x6b: {  	_ =	shalt  }
0x6c: {  	_ =	shalt  }
0x6d: {  	_ =	shalt  }
0x6e: {  	_ =	shalt  }
0x6f: {  	_ =	shalt  }
0x70: {  	_ =	shalt  }
0x71: {  	_ =	shalt  }
0x72: {  	_ =	shalt  }
0x73: {  	_ =	shalt  }
0x74: {  	_ =	shalt  }
0x75: {  	_ =	shalt  }
0x76: {  	_ =	shalt  }
0x77: {  	_ =	shalt  }
0x78: {  	_ =	shalt  }
0x79: {  	_ =	shalt  }
0x7a: {  	_ =	shalt  }
0x7b: {  	_ =	shalt  }
0x7c: {  	_ =	shalt  }
0x7d: {  	_ =	shalt  }
0x7e: {  	_ =	shalt  }
0x7f: {  	_ =	shalt  }
0x80: {  	_ =	shalt  }
0x81: {  	_ =	shalt  }
0x82: {  	_ =	shalt  }
0x83: {  	_ =	shalt  }
0x84: {  	_ =	shalt  }
0x85: {  	_ =	shalt  }
0x86: {  	_ =	shalt  }
0x87: {  	_ =	shalt  }
.Lfunc_end0:
.L_simem_size_0:
called_computation_lowered:
.L_overlay_start_0:
0x88: {  	s2 =	sld [smem:$0x3FD9]  }
0x89: {  	s3 =	sld [smem:$0x3FFE];
	_ =	sdelay $0x1  }
0x8a: {  	s1 =	srdreg.scid  }
0x8b: {  	s0 =	sand.u32 $0x1, s1  }
0x8c: {  	s17 =	sshll.u32 s0, $0xA;
	s2 =	sadd.s32 s3, s2  }
0x8d: {  	s2 =	sadd.s32 s2, s17  }
0x8e: {  	[smem:$0x3FC5] =	sst s2  }
0x8f: {  	_ = 	snop  }
0x90: {  	s2 =	sld [smem:$0x3FC9]  }
0x91: {  	s18 =	sld [smem:$0x3FC8]  }
0x92: {  	s4 =	sld [smem:$0x3FD0];
	(tm) =	ssettm $0x1  }
0x93: {  	s5 =	sld [smem:$0x3FFB];
	_ =	sdelay $0x3  }
0x94: {  	_ =	strace s5  }
0x95: {  	s5 =	sld [smem:$0x3FFC];
	_ =	sdelay $0x3  }
0x96: {  	_ =	strace s5  }
0x97: {  	s5 =	sld [smem:$0x3FFD];
	_ =	sdelay $0x3  }
0x98: {  	_ =	strace s5  }
0x99: {  	_ =	strace $0x8FFFFFFF  }
0x9a: {  	s19 =	sld [smem:$0x3FDB];
	_ =	sdelay $0x1  }
0x9b: {  	s6 =	simm.s32 $_scs_section_size  }
0x9c: {  	s7 =	simm.s32 $_size__tile_overlayer_lowered;
	s8 =	simm.s32 $_tile_overlayer_lowered  }
0x9d: {  	s22 =	simm.s32 $0x1BFF;
	s21 =	sshll.u32 s8, $0x1;
	s5 =	sadd.s32 s6, s19  }
0x9e: {  	s9 =	simm.s32 $0x0;
	s20 =	sshll.u32 s7, $0x1;
	s7 =	sadd.s32 s21, s5  }
0x9f: {  	[timem:s9], [sflag:s22] =	dma.local [hbm:s7], s20  }
0xa0: {  	_ =	swait.ge [sflag:s22], s20  }
0xa1: {  	s6 =	ssub.s32 $0x0, s20;
	[sflag:s22] =	ssyncset.done $0x0  }
0xa2: {  	[sflag:s22] =	ssyncadd.s32 s6;
	_ =	sdelay $0x1  }
0xa3: {  	s23 =	simm.s32 $0x1B8B  }
0xa4: {  	_ =	swait.ge [sflag:s23], $0x1  }
0xa5: {  	[sflag:s23] =	ssyncset.done $0x0  }
0xa6: {  	s25 =	simm.s32 $0x1B8E;
	s24 =	sld [smem:$0x3FFE];
	[sflag:s23] =	ssyncadd.s32 $0xFFFFFFFF  }
0xa7: {  	s26 =	simm.s32 $execute0_lowered;
	[smem:$0x3FD2] =	sst s25  }
0xa8: {  	s7 =	sshll.u32 s26, $0x1;
	_ =	strace $0x80000046;
	[dreg:$0x1] =	wrdreg $0xFFFFFFFF  }
0xa9: {  	s28 =	simm.s32 $_size_execute0_lowered;
	s5 =	sadd.s32 s5, s7;
	[dreg:$0x0] =	wrdreg $0x0  }
0xaa: {  	s7 =	sshll.u32 s28, $0x1;
	[dreg:$0x2] =	wrdreg s5  }
0xab: {  	[dreg:$0x3] =	wrdreg s7  }
0xac: {  	[dreg:$0x4] =	wrdreg $0xC0  }
0xad: {  	_ =	task [dreg:s9], $0x5FFFF  }
0xae: {  	[dreg:$0x1] =	wrdreg $0xFFFFFFFF  }
0xaf: {  	[dreg:$0x0] =	wrdreg $0x60  }
0xb0: {  	[dreg:$0x2] =	wrdreg s2  }
0xb1: {  	[dreg:$0x3] =	wrdreg s18  }
0xb2: {  	[dreg:$0x4] =	wrdreg s24  }
0xb3: {  	[dreg:$0x5] =	wrdreg s4  }
0xb4: {  	[dreg:$0x6] =	wrdreg $0x9  }
0xb5: {  	_ =	task.clear_ibuf [dreg:s9], $0x7FFFF;
	_ =	strace $0x90000046  }
0xb6: {  	s29 =	simm.s32 $0x9;
	_ =	strace $0x80000048  }
0xb7: {  	_ =	swait.ge [sflag:s29], $0x1  }
0xb8: {  	[sflag:s29] =	ssyncadd.s32 $0xFFFFFFFF  }
0xb9: {  	_ =	strace $0x90000048  }
0xba: {  	_ =	sfence  }
0xbb: {  	s30 =	sld [smem:$0x0];
	_ =	sdelay $0x2  }
0xbc: {  	s31 =	sshll.u32 s1, $0xD;
	s1 =	sshrl.u32 s1, $0x2  }
0xbd: {  	s3 =	sand.u32 $0x4000, s31;
	s1 =	sadd.s32 s1, s30  }
0xbe: {  	s0 =	sor.u32 s3, s0;
	s1 =	sshll.u32 s1, $0x11  }
0xbf: {  	s0 =	sor.u32 s1, s0  }
0xc0: {  	s0 =	sadd.s32 $0x8F2B, s0  }
0xc1: {  	[sflag:s0] =	ssyncadd.remote.s32 $0x1  }
0xc2: {  	_ =	sfence.sel $0xFFFF  }
0xc3: {  	[dreg:$0x0] =	wrdreg $0xFFFFFFFF;
	(pc) =	sbr.abs _section_cstart, $3  }
0xc4: {  	[dreg:$0x1] =	wrdreg $0xFFFFFFFF  }
0xc5: {  	_ =	task.clear_ibuf [dreg:s9], $0x2FFFF;
	_ =	strace $0x9FFFFFFF  }
0xc6: {  	(tm) =	ssettm $0x7FFFFFFF  }
0xc7: {  	_ =	shalt  }
tec
execute0_lowered:
.L_overlay_start_1:
0x0: {  	(tag) =	ssettag $0x1  }
0x1: {  	s0 =	srdreg.scid  }
0x2: {  	s16 =	stileid.u32;
	s8 =	rddreg [dreg:$0x1]  }
0x3: {  	s6 =	rddreg [dreg:$0x2];
	s12 =	smul.u32 $0x620, s16  }
0x4: {  	s4 =	rddreg [dreg:$0x3];
	s24 =	smul.u32 $0x1880, s16  }
0x5: {  	s5 =	simm.s32 $0x0;
	s0 =	sand.u32 $0x1, s0;
	s26 =	smul.u32 $0x18800, s16  }
0x6: {  	s20 =	simm.s32 $0xE680;
	s1 =	sshll.u32 s16, $0x1;
	s14 =	smul.u32 $0x310, s0  }
0x7: {  	[smem:$0x7FF] =	sst s5;
	s2 =	sor.u32 s0, s1;
	s25 =	smul.u32 $0xC40, s0  }
0x8: {  	s1 =	rddreg [dreg:$0x0];
	s13 =	ssub.s32 $0x2, s0;
	s0 =	smul.u32 $0xC400, s0  }
0x9: {  	_ =	strace $0x80000047;
	s3 =	smul.u32 $0x310, s2;
	s9 =	smax.u32 s2, $0x15  }
0xa: {  	s15 =	sshrl.u32 s13, $0x1;
	s7 =	sshll.u32 s9, $0x3;
	s21 =	sadd.s32 s14, s12  }
0xb: {  	s22 =	ssub.s32 s13, s15;
	s30 =	sshll.u32 s9, $0x5;
	s3 =	ssub.s32 s3, s7  }
0xc: {  	s0 =	sadd.s32 s0, s26;
	s31 =	sshll.u32 s9, $0x9;
	s3 =	sadd.s32 $0xA8, s3  }
0xd: {  	s12 =	simm.s32 $0x7;
	p0 =	slt.s32 s3, $0x5E98;
	s10 =	smov.u32 s3  }
0xe: {  	s14 =	simm.s32 $0x80;
	s9 =	smax.u32 s22, $0x1;
	s10 =	simm.s32 @!p0 $0x5E98  }
0xf: {  	s22 =	simm.s32 $0x12680;
	p0 =	slt.u32 s2, $0x15;
	s11 =	sshll.u32 s10, $0x1  }
0x10: {  	s2 =	ssub.s32 s21, s7;
	s23 =	ssub.s32 s3, s10;
	s11 =	sand.u32 $0x1FFFFFF0, s11  }
0x11: {  	s2 =	sadd.s32 $0xA8, s2;
	s11 =	sadd.s32 s11, s6;
	s6 =	simm.s32 $0x310  }
0x12: {  	s10 =	sshrl.u32 s10, $0x3;
	s6 =	simm.s32 @!p0 $0x308;
	p0 =	slt.s32 s2, $0x5E98  }
0x13: {  	s21 =	simm.s32 $0x3600;
	s8 =	sadd.s32 s8, s10;
	s2 =	simm.s32 @!p0 $0x5E98  }
0x14: {  	s7 =	sadd.s32 $0x400, s11;
	s11 =	sadd.s32 s25, s24;
	s28 =	sshll.u32 s2, $0x2  }
.Ltmp0:
0x15: {  	s2 =	sshll.u32 s2, $0x6;
	s29 =	ssub.s32 s11, s28;
	(pc) =	sbr.rel .LBB2_1-.Ltmp0, $4  }
0x16: {  	s13 =	sadd.s32 $0x3100, s23;
	s0 =	ssub.s32 s0, s2;
	s10 =	ssub.s32 s29, s30  }
0x17: {  	s23 =	simm.s32 $0x5;
	s0 =	ssub.s32 s0, s31;
	s10 =	sadd.s32 $0x2A0, s10  }
0x18: {  	s24 =	simm.s32 $0x6;
	s0 =	sadd.s32 $0x2A00, s0;
	s10 =	sshra.s32 s10, $0x2  }
0x19: {  	v0 =	vimm.s32 $0x0;
	v1 =	vmov s13;
	s25 =	simm.s32 $0x0;
	s11 =	sshra.s32 s0, $0x2;
	s10 =	sadd.s32 $0x3100, s10  }
.LBB2_12:
0x1a: {  	s25 =	sadd.s32 $0x1, s25  }
0x1b: {  	_ =	swait.ge [sflag:s23], $0x400;
	p0 =	sne.s32 s25, s9  }
.Ltmp1:
0x1c: {  	[sflag:s23] =	ssyncset.done $0x0;
	(pc) =	sbr.rel @!p0 .LBB2_13-.Ltmp1, $4  }
0x1d: {  	[sflag:s23] =	ssyncadd.s32 $0xFFFFFC00  }
0x1e: {  	_ =	swait.ge [sflag:s24], $0x400  }
0x1f: {  	[sflag:s24] =	ssyncset.done $0x0  }
0x20: {  	[sflag:s24] =	ssyncadd.s32 $0xFFFFFC00  }
.LBB2_1:
0x21: {  	[tilespmem:s5], [sflag:$0x7] =	stream.linear.gather [hbm4b:s7+s5], $0x3100, $0x38;
	[tilespmem:$0x16E80] =	vst v63  }
0x22: {  	_ =	swait.ge [sflag:s12], $0x3100  }
0x23: {  	[sflag:s12] =	ssyncset.done $0x0  }
0x24: {  	s0 =	simm.s32 $0x3100;
	p1 =	sne.s32 s6, $0x1;
	[sflag:s12] =	ssyncadd.s32 $0xFFFFCF00  }
0x25: {  	[tilespmem:s0], [sflag:$0x7] =	stream.linear.gather [hbm4b:s8+s5], $0x310, $0x38;
	[tilespmem:$0x16E80] =	vst v63  }
.Ltmp2:
0x26: {  	_ = 	snop;
	(pc) =	sbr.rel @!p1 .LBB2_2-.Ltmp2, $4  }
0x27: {  	_ =	swait.ge [sflag:s12], $0x310  }
0x28: {  	[sflag:s12] =	ssyncset.done $0x0  }
0x29: {  	[sflag:s12] =	ssyncadd.s32 $0xFFFFFCF0  }
0x2a: {  	s2 =	sadd.s32 $0xFFFFFFFF, s6;
	p0 =	por $0x0, $0x0;
	v2 =	vld [tilespmem:s11+$0x0]  }
0x2b: {  	_ =	sdelay $0x3  }
0x2c: {  	[tilespmem:s5+$0x3480] =	vst v2  }
0x2d: {  	v3 =	vld [tilespmem:s10+$0x0];
	_ =	sdelay $0x4  }
0x2e: {  	(v2sf) =	vpush v3, $0x0;
	_ =	sdelay $0xc  }
0x2f: {  	p1 =	sne.s32 s2, $0x1  }
.Ltmp3:
0x30: {  	_ = 	snop;
	(pc) =	sbr.rel @!p1 .LBB2_4-.Ltmp3, $4  }
0x31: {  	v2 =	vbroadcast v2, $0x0;
	s0 =	spop (v2sf)  }
0x32: {  	s15 =	sadd.s32 $0x0, s0  }
0x33: {  	s13 =	sadd.s32 $0x10, s11;
	p0 =	por $0x1, $0x1;
	s0 =	sand.u32 $0x1, s0;
	[tilespmem:s15+$0x3480] =	vst v2  }
0x34: {  	s0 =	sadd.s32 s0, s15;
	s15 =	sadd.s32 $0xFFFFFFFF, s2;
	s2 =	smov.u32 s10;
	v2 =	vld [tilespmem:s13+$0x0]  }
.LBB2_5:
0x35: {  	p1 =	sne.s32 s15, $0x1;
	_ =	sdelay $0x3  }
0x36: {  	s2 =	sadd.s32 $0x1, s2;
	[tilespmem:s0+$0x3480] =	vst v2  }
0x37: {  	v3 =	vld [tilespmem:s2+$0x0];
	_ =	sdelay $0x4  }
0x38: {  	(v2sf) =	vpush v3, $0x0;
	_ =	sdelay $0xd  }
.Ltmp4:
0x39: {  	(pc) =	sbr.rel @p1 .LBB2_5-.Ltmp4, $4  }
0x3a: {  	v2 =	vbroadcast v2, $0x0;
	s16 =	spop (v2sf)  }
0x3b: {  	s0 =	sadd.s32 s0, s16;
	s16 =	sand.u32 $0x1, s16  }
0x3c: {  	s13 =	sadd.s32 $0x10, s13;
	[tilespmem:s0+$0x3480] =	vst v2;
	s0 =	sadd.s32 s16, s0  }
0x3d: {  	s15 =	sadd.s32 $0xFFFFFFFF, s15;
	v2 =	vld [tilespmem:s13+$0x0]  }
.LBB2_6:
0x3e: {  	_ =	sdelay $0x2  }
0x3f: {  	s2 =	sadd.s32 @p0 $0x1, s2;
	s13 =	smov.u32 s10  }
0x40: {  	s13 =	smov.u32 @p0 s2;
	[tilespmem:s0+$0x3480] =	vst v2  }
0x41: {  	v3 =	vld [tilespmem:s13+$0x0];
	_ =	sdelay $0x4  }
0x42: {  	(v2sf) =	vpush v3, $0x0;
	_ =	sdelay $0xe  }
0x43: {  	v2 =	vbroadcast v2, $0x0;
	s13 =	spop (v2sf)  }
0x44: {  	s15 =	sadd.s32 s0, s13;
	s2 =	sand.u32 $0x1, s13  }
0x45: {  	[tilespmem:s15+$0x3480] =	vst v2;
	s0 =	sadd.s32 s2, s15  }
0x46: {  	[tilespmem:s0+$0x3480] =	vst v0  }
0x47: {  	[tilespmem:s0+$0x3490] =	vst v0  }
0x48: {  	[tilespmem:s0+$0x34A0] =	vst v0  }
0x49: {  	[tilespmem:s0+$0x34B0] =	vst v0  }
0x4a: {  	[tilespmem:s0+$0x34C0] =	vst v0  }
0x4b: {  	[tilespmem:s0+$0x34D0] =	vst v0  }
0x4c: {  	[tilespmem:s0+$0x34E0] =	vst v0  }
0x4d: {  	s16 =	simm.s32 $0x3480;
	s17 =	simm.s32 $0x6680;
	[tilespmem:s0+$0x34F0] =	vst v0  }
0x4e: {  	[tilespmem:s17], [sflag:$0x1] =	stream.indirect.gather [hbm4b:s1+s14], $0x80, s16, s14, $0xb8;
	[tilespmem:$0x16E80] =	vst v63  }
0x4f: {  	s18 =	simm.s32 $0x3500;
	s19 =	simm.s32 $0xA680  }
0x50: {  	[tilespmem:s19], [sflag:$0x2] =	stream.indirect.gather [hbm4b:s1+s14], $0x80, s18, s14, $0xb8;
	[tilespmem:$0x16E80] =	vst v63  }
.Ltmp5:
0x51: {  	s26 =	simm.s32 $0x3580;
	s28 =	simm.s32 $0x4;
	(pc) =	sbr.rel .LBB2_7-.Ltmp5, $4  }
0x52: {  	s31 =	simm.s32 $0x0;
	s29 =	simm.s32 $0x0;
	s0 =	sadd.s32 $0x7F, s0  }
0x53: {  	[tilespmem:s20], [sflag:$0x3] =	stream.indirect.gather [hbm4b:s1+s14], $0x80, s26, s14, $0xb8;
	[tilespmem:$0x16E80] =	vst v63  }
0x54: {  	s30 =	simm.s32 $0x0;
	s2 =	simm.s32 $0x0;
	s26 =	sshra.s32 s0, $0x7  }
0x55: {  	[tilespmem:s22], [sflag:$0x4] =	stream.indirect.gather [hbm4b:s1+s14], $0x80, s21, s14, $0xb8;
	[tilespmem:$0x16E80] =	vst v63  }
.LBB2_10:
0x56: {  	v24 =	vld [tilespmem:s15+$0x66F0]  }
0x57: {  	v8 =	vmax.f32 v8, v22;
	v63 =	vld [tilespmem:s15+$0x6770]  }
0x58: {  	v9 =	vmax.f32 v9, v23;
	v6 =	vmax.f32 v6, v19;
	v7 =	vmax.f32 v7, v20  }
0x59: {  	v4 =	vmax.f32 v4, v21;
	v5 =	vmax.f32 v5, v17;
	v3 =	vmax.f32 v3, v18  }
0x5a: {  	v8 =	vmax.f32 v8, v14;
	v9 =	vmax.f32 v9, v15;
	v6 =	vmax.f32 v6, v10  }
0x5b: {  	v7 =	vmax.f32 v7, v13;
	v4 =	vmax.f32 v4, v16;
	v2 =	vmax.f32 v2, v24  }
0x5c: {  	v5 =	vmax.f32 v5, v11;
	v3 =	vmax.f32 v3, v12;
	v2 =	vmax.f32 v2, v63  }
.LBB2_11:
0x5d: {  	s15 =	sshll.u32 s29, $0x7  }
0x5e: {  	s16 =	sor.u32 $0x8, s29;
	[tilespmem:s15+$0x16680] =	vst v8  }
0x5f: {  	[tilespmem:s15+$0x16690] =	vst v9;
	p1 =	seq.s32 s16, $0xF  }
0x60: {  	[tilespmem:s15+$0x166A0] =	vst v6;
	s16 =	sadd.s32 @p1 s3, s2  }
0x61: {  	[tilespmem:s15+$0x166B0] =	vst v7;
	s16 =	sshll.u32 @p1 s16, $0x7  }
0x62: {  	[tilespmem:s15+$0x166C0] =	vst v4;
	s16 =	sadd.s32 @p1 $0xFFFFFC80, s16  }
0x63: {  	[tilespmem:s15+$0x166D0] =	vst v5;
	s16 =	sshrl.u32 @p1 s16, $0x3  }
0x64: {  	[tilespmem:s15+$0x166E0] =	vst v3;
	s17 =	sand.u32 @p1 $0xFFFFFC00, s15;
	s13 =	sadd.s32 @p1 $0x5, s13;
	s16 =	sand.u32 @p1 $0x1FFFFF80, s16  }
0x65: {  	[tilespmem:s15+$0x166F0] =	vst v2;
	s17 =	sadd.s32 @p1 $0x16680, s17;
	s15 =	sadd.s32 @p1 s4, s16;
	s16 =	simm.s32 @p1 $0x0  }
0x66: {  	[hbm4b:s15+s16] =	stream.linear.scatter @p1 [tilespmem:s17], [sflag:s13], $0x400, $0x38;
	[tilespmem:$0x16E80] =	vst v63  }
0x67: {  	s2 =	sadd.s32 $0x1, s2;
	s13 =	simm.s32 $0x1  }
0x68: {  	s13 =	simm.s32 @!p0 $0x0;
	p0 =	sne.s32 s2, s6  }
.Ltmp6:
0x69: {  	_ = 	snop;
	(pc) =	sbr.rel @!p0 .LBB2_12-.Ltmp6, $4  }
0x6a: {  	_ = 	snop  }
0x6b: {  	p1 =	sge.s32 s0, s30;
	s0 =	simm.s32 $0x1  }
0x6c: {  	s0 =	simm.s32 @!p1 $0x0;
	p1 =	seq.s32 s29, $0xF;
	s29 =	sadd.s32 $0x1, s29  }
0x6d: {  	s30 =	sadd.s32 s0, s30;
	s28 =	sadd.s32 s13, s28;
	s29 =	simm.s32 @p1 $0x0  }
.LBB2_7:
0x6e: {  	_ =	sdelay $0x3  }
0x6f: {  	v2 =	vld.idx.msk [tilespmem:v1+s2+$0x0 ss:$0x1], $0xffff;
	_ =	sdelay $0x4  }
0x70: {  	(v2sf) =	vpush v2, $0x0;
	_ =	sdelay $0xe  }
0x71: {  	s0 =	spop (v2sf)  }
0x72: {  	s13 =	sand.u32 $0x1, s0  }
0x73: {  	s16 =	sadd.s32 s0, s13  }
0x74: {  	s15 =	smov.u32 s31;
	s31 =	sadd.s32 s31, s16  }
0x75: {  	s17 =	sadd.s32 $0xFFFFFFFF, s31  }
0x76: {  	s18 =	sadd.s32 $0xFFFFFFFC, s28;
	s0 =	sshra.s32 s17, $0x7;
	s17 =	sshra.s32 s15, $0x7  }
0x77: {  	p0 =	slt.s32 s28, s26;
	p1 =	slt.s32 s0, s30;
	p2 =	slt.s32 s18, s17  }
0x78: {  	s13 =	sand.u32 @!p1 $0x3, s30;
	p0 =	por !p0, !p2  }
0x79: {  	s13 =	sadd.s32 @!p1 $0x1, s13;
	p0 =	por !p0, !p0  }
0x7a: {  	_ =	swait.ge @!p1 [sflag:s13], $0x4000;
	s17 =	sand.u32 @p0 $0x3, s28  }
0x7b: {  	s19 =	sshll.u32 @p0 s28, $0x9;
	[sflag:s13] =	ssyncset.done @!p1 $0x0;
	s18 =	sshll.u32 @p0 s17, $0xE  }
0x7c: {  	[sflag:s13] =	ssyncadd.s32 @!p1 $0xFFFFC000;
	s13 =	sadd.s32 @p0 $0x6680, s18;
	s18 =	sshra.s32 @p0 s19, $0x2  }
0x7d: {  	s17 =	sadd.s32 @p0 $0x1, s17;
	s19 =	simm.s32 @p0 $0x80;
	s18 =	sadd.s32 @p0 $0x3480, s18  }
0x7e: {  	[tilespmem:s13], [sflag:s17] =	stream.indirect.gather @p0 [hbm4b:s1+s19], $0x80, s18, s19, $0xb8;
	[tilespmem:$0x16E80] =	vst v63  }
0x7f: {  	p1 =	slt.u32 s2, $0x10;
	s13 =	sand.u32 $0xFFFFFFF7, s29  }
0x80: {  	p2 =	sne.s32 @!p1 s13, $0x0  }
0x81: {  	s13 =	sshra.s32 s29, $0x3;
	p1 =	por p2, p1  }
0x82: {  	s17 =	sadd.s32 @!p1 $0x5, s13  }
0x83: {  	_ =	swait.ge @!p1 [sflag:s17], $0x400  }
0x84: {  	s15 =	sshll.u32 s15, $0x7;
	[sflag:s17] =	ssyncset.done @!p1 $0x0  }
0x85: {  	s19 =	sand.u32 $0xFF80, s15;
	[sflag:s17] =	ssyncadd.s32 @!p1 $0xFFFFFC00  }
0x86: {  	v2 =	vld [tilespmem:s19+$0x6680]  }
0x87: {  	v3 =	vld [tilespmem:s19+$0x6690]  }
0x88: {  	v4 =	vld [tilespmem:s19+$0x66A0]  }
0x89: {  	v5 =	vld [tilespmem:s19+$0x66B0]  }
0x8a: {  	v10 =	vld [tilespmem:s19+$0x66C0]  }
0x8b: {  	v11 =	vld [tilespmem:s19+$0x66D0]  }
0x8c: {  	v12 =	vld [tilespmem:s19+$0x66E0]  }
0x8d: {  	v13 =	vld [tilespmem:s19+$0x66F0]  }
0x8e: {  	v6 =	vld [tilespmem:s19+$0x6700]  }
0x8f: {  	v7 =	vld [tilespmem:s19+$0x6710]  }
0x90: {  	v14 =	vld [tilespmem:s19+$0x6720]  }
0x91: {  	v15 =	vld [tilespmem:s19+$0x6730]  }
0x92: {  	v16 =	vld [tilespmem:s19+$0x6740]  }
0x93: {  	v17 =	vld [tilespmem:s19+$0x6750]  }
0x94: {  	s17 =	sshra.s32 s16, $0x1;
	v18 =	vld [tilespmem:s19+$0x6760]  }
0x95: {  	v19 =	vld [tilespmem:s19+$0x6770];
	p1 =	slt.s32 s17, $0x2  }
.Ltmp7:
0x96: {  	_ = 	snop;
	(pc) =	sbr.rel @p1 .LBB2_11-.Ltmp7, $4  }
0x97: {  	_ = 	snop  }
0x98: {  	v8 =	vmax.f32 v2, v6;
	v9 =	vmax.f32 v3, v7  }
0x99: {  	v6 =	vmax.f32 v4, v14;
	v7 =	vmax.f32 v5, v15;
	v4 =	vmax.f32 v10, v16  }
0x9a: {  	v5 =	vmax.f32 v11, v17;
	v3 =	vmax.f32 v12, v18;
	v2 =	vmax.f32 v13, v19  }
0x9b: {  	s16 =	sadd.s32 $0x100, s15  }
0x9c: {  	s15 =	sand.u32 $0xFF80, s16  }
0x9d: {  	v14 =	vld [tilespmem:s15+$0x6700]  }
0x9e: {  	v15 =	vld [tilespmem:s15+$0x6710]  }
0x9f: {  	v10 =	vld [tilespmem:s15+$0x6720]  }
0xa0: {  	v13 =	vld [tilespmem:s15+$0x6730]  }
0xa1: {  	v16 =	vld [tilespmem:s15+$0x6740]  }
0xa2: {  	v11 =	vld [tilespmem:s15+$0x6750]  }
0xa3: {  	v22 =	vld [tilespmem:s15+$0x6680]  }
0xa4: {  	s17 =	sadd.s32 $0xFFFFFFFF, s17;
	v23 =	vld [tilespmem:s15+$0x6690]  }
0xa5: {  	p1 =	sne.s32 s17, $0x1;
	v19 =	vld [tilespmem:s15+$0x66A0]  }
.Ltmp8:
0xa6: {  	v20 =	vld [tilespmem:s15+$0x66B0];
	(pc) =	sbr.rel @!p1 .LBB2_10-.Ltmp8, $4  }
0xa7: {  	v21 =	vld [tilespmem:s15+$0x66C0]  }
0xa8: {  	v17 =	vld [tilespmem:s15+$0x66D0]  }
0xa9: {  	v18 =	vld [tilespmem:s15+$0x66E0]  }
0xaa: {  	s17 =	sadd.s32 $0xFFFFFFFF, s17;
	v12 =	vld [tilespmem:s15+$0x6760]  }
.LBB2_9:
0xab: {  	p1 =	sne.s32 s17, $0x1;
	v24 =	vld [tilespmem:s15+$0x66F0];
	s16 =	sadd.s32 $0x100, s16  }
0xac: {  	v8 =	vmax.f32 v8, v22;
	v9 =	vmax.f32 v9, v23;
	v22 =	vld [tilespmem:s15+$0x6770];
	s15 =	sand.u32 $0xFF80, s16  }
0xad: {  	v8 =	vmax.f32 v8, v14;
	v9 =	vmax.f32 v9, v15;
	v14 =	vld [tilespmem:s15+$0x6700]  }
0xae: {  	v6 =	vmax.f32 v6, v19;
	v7 =	vmax.f32 v7, v20;
	v4 =	vmax.f32 v4, v21;
	v15 =	vld [tilespmem:s15+$0x6710]  }
0xaf: {  	v6 =	vmax.f32 v6, v10;
	v7 =	vmax.f32 v7, v13;
	v4 =	vmax.f32 v4, v16;
	v10 =	vld [tilespmem:s15+$0x6720]  }
0xb0: {  	v5 =	vmax.f32 v5, v17;
	v3 =	vmax.f32 v3, v18;
	v13 =	vld [tilespmem:s15+$0x6730];
	v2 =	vmax.f32 v2, v24  }
0xb1: {  	v5 =	vmax.f32 v5, v11;
	v3 =	vmax.f32 v3, v12;
	v16 =	vld [tilespmem:s15+$0x6740];
	v2 =	vmax.f32 v2, v22  }
0xb2: {  	v11 =	vld [tilespmem:s15+$0x6750]  }
0xb3: {  	v12 =	vld [tilespmem:s15+$0x6760]  }
0xb4: {  	v22 =	vld [tilespmem:s15+$0x6680]  }
0xb5: {  	v23 =	vld [tilespmem:s15+$0x6690]  }
.Ltmp9:
0xb6: {  	v19 =	vld [tilespmem:s15+$0x66A0];
	(pc) =	sbr.rel @p1 .LBB2_9-.Ltmp9, $4  }
0xb7: {  	v20 =	vld [tilespmem:s15+$0x66B0]  }
0xb8: {  	v21 =	vld [tilespmem:s15+$0x66C0]  }
0xb9: {  	v17 =	vld [tilespmem:s15+$0x66D0]  }
0xba: {  	s17 =	sadd.s32 $0xFFFFFFFF, s17;
	v18 =	vld [tilespmem:s15+$0x66E0]  }
.Ltmp10:
0xbb: {  	_ = 	snop;
	(pc) =	sbr.rel .LBB2_10-.Ltmp10, $1  }
0xbc: {  	_ =	sdelay $0x3  }
.LBB2_2:
.Ltmp11:
0xbd: {  	(pc) =	sbr.rel .LBB2_6-.Ltmp11, $2  }
0xbe: {  	_ =	sdelay $0x2  }
0xbf: {  	s0 =	simm.s32 $0x0;
	s2 =	smov.u32 s10  }
.LBB2_4:
.Ltmp12:
0xc0: {  	(pc) =	sbr.rel .LBB2_6-.Ltmp12, $2  }
0xc1: {  	_ =	sdelay $0x2  }
0xc2: {  	s2 =	smov.u32 s10  }
.LBB2_13:
0xc3: {  	_ =	sfence.sel $0x180000  }
0xc4: {  	[bflag:$0x0] =	sbarrier.arrive $0xFFFF  }
0xc5: {  	_ =	strace $0x90000047  }
0xc6: {  	s0 =	stileid.u32;
	[bflag:$0x2] =	sbarrier.arrive $0xFFFF  }
0xc7: {  	p0 =	sne.s32 s0, $0x0;
	s0 =	rddreg [dreg:$0x4]  }
0xc8: {  	s0 =	sadd.s32 @!p0 $0x100000, s0  }
0xc9: {  	[sflag:s0] =	ssyncadd.tile.s32 @!p0 $0x1;
	_ =	shalt  }
.Lfunc_end2:
_tile_overlayer_lowered:
.L_overlay_start_2:
0xca: {  	(tag) =	ssettag $0x2  }
0xcb: {  	s0 =	rddreg [dreg:$0x0];
	s2 =	stileid.u32  }
0xcc: {  	s1 =	rddreg [dreg:$0x1];
	p0 =	sne.s32 s2, $0x0  }
0xcd: {  	s3 =	rddreg [dreg:$0x2];
	[bflag:$0x3] =	sbarrier.arrive $0xFFFF;
	s2 =	simm.s32 @!p0 $0x1C07  }
0xce: {  	[timem:s3], [sflag:s2] =	dma.local @!p0 [hbm:s0], s1  }
0xcf: {  	s0 =	simm.s32 @!p0 $0x7  }
0xd0: {  	_ =	swait.ge @!p0 [sflag:s0], s1  }
0xd1: {  	s1 =	ssub.s32 @!p0 $0x0, s1;
	[sflag:s0] =	ssyncset.done @!p0 $0x0  }
0xd2: {  	[sflag:s0] =	ssyncadd.s32 @!p0 s1  }
0xd3: {  	[bflag:$0x3] =	sbarrier.arrive $0xFFFF  }
0xd4: {  	_ =	shalt  }

</sc_bundles>
